<compile_context>
chip_gen: v7x
topology: tpu7x:2x2x1
jax: 0.10.2.dev20260603
libtpu: 0.0.44.dev20260713+nightly
codegen_flags: <defaults>
</compile_context>

<pallas_src>
import functools

import jax
import jax.numpy as jnp
from jax import lax
from jax.experimental import pallas as pl
from jax.experimental.pallas import tpu as pltpu
from jax.experimental.pallas import tpu_sc as plsc

MAX = 2000
HALF = 128
B, L = 4096, 50
NC, NS = 2, 16
NW = NC * NS
BB = B // NW
CH = 1
CHL = CH * L
NCK = BB // CH
NBUF = 4
STRIPE = 128

_mesh = plsc.VectorSubcoreMesh(core_axis_name="c", subcore_axis_name="s")


@functools.partial(
    pl.kernel,
    out_type=jax.ShapeDtypeStruct((B, L, 2 * HALF), jnp.float32),
    mesh=_mesh,
    compiler_params=pltpu.CompilerParams(use_tc_tiling_on_sc=True),
    scratch_types=[
        pltpu.VMEM_SHARED((MAX, HALF), jnp.float32),
        pltpu.VMEM_SHARED((MAX, HALF), jnp.float32),
        pltpu.VMEM((NCK, CHL), jnp.int32),
        pltpu.VMEM((NCK, CHL), jnp.int32),
    ] + [pltpu.VMEM((CHL, HALF), jnp.float32)] * (2 * NBUF)
      + [pltpu.SemaphoreType.DMA] * (2 * NBUF),
)
def _emb_lookup(x_hbm, y_hbm, col_hbm, row_hbm, out_hbm,
                colsh, rowsh, xi, yi, *bufsems):
    bufs = bufsems[:2 * NBUF]
    sems = bufsems[2 * NBUF:]
    slots = [(bufs[2 * p], bufs[2 * p + 1], sems[2 * p], sems[2 * p + 1])
             for p in range(NBUF)]

    sid = lax.axis_index("s")
    wid = lax.axis_index("c") * NS + sid
    base_c = wid * NCK

    row0 = sid * STRIPE

    @pl.when(sid < NS - 1)
    def _stage_full():
        pltpu.sync_copy(col_hbm.at[pl.ds(row0, STRIPE)],
                        colsh.at[pl.ds(row0, STRIPE)])
        pltpu.sync_copy(row_hbm.at[pl.ds(row0, STRIPE)],
                        rowsh.at[pl.ds(row0, STRIPE)])

    @pl.when(sid == NS - 1)
    def _stage_tail():
        tail = MAX - (NS - 1) * STRIPE
        t0 = (NS - 1) * STRIPE
        pltpu.sync_copy(col_hbm.at[pl.ds(t0, tail)],
                        colsh.at[pl.ds(t0, tail)])
        pltpu.sync_copy(row_hbm.at[pl.ds(t0, tail)],
                        rowsh.at[pl.ds(t0, tail)])

    pltpu.sync_copy(x_hbm.at[pl.ds(base_c, NCK)], xi)
    pltpu.sync_copy(y_hbm.at[pl.ds(base_c, NCK)], yi)
    plsc.subcore_barrier()

    def issue_gather(k, xb, yb, gsem):
        pltpu.async_copy(colsh.at[xi.at[k]], xb, gsem)
        pltpu.async_copy(rowsh.at[yi.at[k]], yb, gsem)

    def drain_gather(xb, yb, gsem):
        pltpu.make_async_copy(
            xb, out_hbm.at[pl.ds(0, CH), pl.ds(0, L), pl.ds(0, HALF)],
            gsem).wait()
        pltpu.make_async_copy(
            yb, out_hbm.at[pl.ds(0, CH), pl.ds(0, L), pl.ds(HALF, HALF)],
            gsem).wait()

    def issue_write(k, xb, yb, wsem):
        bb = (base_c + k) * CH
        for c in range(CH):
            pltpu.async_copy(
                xb.at[pl.ds(c * L, L)],
                out_hbm.at[bb + c, pl.ds(0, L), pl.ds(0, HALF)], wsem)
            pltpu.async_copy(
                yb.at[pl.ds(c * L, L)],
                out_hbm.at[bb + c, pl.ds(0, L), pl.ds(HALF, HALF)], wsem)

    def drain_write(xb, yb, wsem):
        for c in range(CH):
            pltpu.make_async_copy(
                xb.at[pl.ds(c * L, L)],
                out_hbm.at[0, pl.ds(0, L), pl.ds(0, HALF)], wsem).wait()
            pltpu.make_async_copy(
                yb.at[pl.ds(c * L, L)],
                out_hbm.at[0, pl.ds(0, L), pl.ds(HALF, HALF)], wsem).wait()

    for p, (xb, yb, gsem, wsem) in enumerate(slots):
        issue_gather(p, xb, yb, gsem)

    def ring_body(g, carry):
        k0 = NBUF * g
        for p, (xb, yb, gsem, wsem) in enumerate(slots):
            k = k0 + p
            drain_gather(xb, yb, gsem)
            issue_write(k, xb, yb, wsem)
            drain_write(xb, yb, wsem)
            issue_gather(k + NBUF, xb, yb, gsem)
        return carry

    lax.fori_loop(0, NCK // NBUF - 1, ring_body, 0)

    for p, (xb, yb, gsem, wsem) in enumerate(slots):
        k = NCK - NBUF + p
        drain_gather(xb, yb, gsem)
        issue_write(k, xb, yb, wsem)
        drain_write(xb, yb, wsem)


def kernel(x, y, col_weight, row_weight):
    xr = x.astype(jnp.int32).reshape(B * L // CHL, CHL)
    yr = y.astype(jnp.int32).reshape(B * L // CHL, CHL)
    out = _emb_lookup(xr, yr, col_weight, row_weight)
    return out.reshape(1, B, L, 2 * HALF)

# --- scband reference (transcript-rebuilt; emitter-appended) ---
"""Pipeline reference for scband-prior-embedding-learned-89885075571006 (READ-ONLY COPY).

The authoritative reference and input builder live on the scoring server;
editing this copy changes nothing except your own understanding.
"""

import jax, jax.numpy as jnp
import numpy as np

MAX_SIZE = 2000
NUM_POS_FEATS = 256
HALF = NUM_POS_FEATS // 2
B, L = 4096, 50


def setup_inputs(seed: int = 0) -> dict:
    key = jax.random.key(seed)
    k1, k2, k3, k4 = jax.random.split(key, 4)
    x = jax.random.randint(k1, (B, L), 0, MAX_SIZE, dtype=jnp.int64 if jax.config.jax_enable_x64 else jnp.int32)
    y = jax.random.randint(k2, (B, L), 0, MAX_SIZE, dtype=jnp.int64 if jax.config.jax_enable_x64 else jnp.int32)
    # learned embedding tables, initialized uniform [0, 1) like nn.init.uniform_
    col_weight = jax.random.uniform(k3, (MAX_SIZE, HALF), dtype=jnp.float32)
    row_weight = jax.random.uniform(k4, (MAX_SIZE, HALF), dtype=jnp.float32)
    return {"x": x, "y": y, "col_weight": col_weight, "row_weight": row_weight}


def reference(x, y, col_weight, row_weight):
    # x_emb = self.col_embed(x); y_emb = self.row_embed(y)
    x_emb = jnp.take(col_weight, x, axis=0)
    y_emb = jnp.take(row_weight, y, axis=0)
    # pos = torch.cat([x_emb, y_emb], dim=-1).unsqueeze(0)
    pos = jnp.concatenate([x_emb, y_emb], axis=-1)[None]
    return pos

if __name__ == "__main__":
    import jax
    _d = setup_inputs()
    print(jax.jit(kernel)(*tuple(_d.values())))

</pallas_src>

<mosaic_0001>
#map = affine_map<(d0, d1) -> (0, 0)>
#map1 = affine_map<(d0, d1) -> (0, 0, 0)>
module attributes {stable_mosaic.version = 14 : i64} {
  func.func @_emb_lookup(%arg0: i32, %arg1: i32, %arg2: memref<4096x50xi32, #tpu.memory_space<hbm>>, %arg3: memref<4096x50xi32, #tpu.memory_space<hbm>>, %arg4: memref<2000x128xf32, #tpu.memory_space<hbm>>, %arg5: memref<2000x128xf32, #tpu.memory_space<hbm>>, %arg6: memref<4096x50x256xf32, #tpu.memory_space<hbm>>, %arg7: memref<2000x128xf32, #tpu.memory_space<vmem_shared>>, %arg8: memref<2000x128xf32, #tpu.memory_space<vmem_shared>>, %arg9: memref<128x50xi32, #tpu.memory_space<vmem>>, %arg10: memref<128x50xi32, #tpu.memory_space<vmem>>, %arg11: memref<50x128xf32, #tpu.memory_space<vmem>>, %arg12: memref<50x128xf32, #tpu.memory_space<vmem>>, %arg13: memref<50x128xf32, #tpu.memory_space<vmem>>, %arg14: memref<50x128xf32, #tpu.memory_space<vmem>>, %arg15: memref<50x128xf32, #tpu.memory_space<vmem>>, %arg16: memref<50x128xf32, #tpu.memory_space<vmem>>, %arg17: memref<50x128xf32, #tpu.memory_space<vmem>>, %arg18: memref<50x128xf32, #tpu.memory_space<vmem>>, %arg19: memref<!tpu.dma_semaphore, #tpu.memory_space<semaphore_mem>>, %arg20: memref<!tpu.dma_semaphore, #tpu.memory_space<semaphore_mem>>, %arg21: memref<!tpu.dma_semaphore, #tpu.memory_space<semaphore_mem>>, %arg22: memref<!tpu.dma_semaphore, #tpu.memory_space<semaphore_mem>>, %arg23: memref<!tpu.dma_semaphore, #tpu.memory_space<semaphore_mem>>, %arg24: memref<!tpu.dma_semaphore, #tpu.memory_space<semaphore_mem>>, %arg25: memref<!tpu.dma_semaphore, #tpu.memory_space<semaphore_mem>>, %arg26: memref<!tpu.dma_semaphore, #tpu.memory_space<semaphore_mem>>) attributes {dimension_semantics = [#tpu.dimension_semantics<core_parallel>, #tpu.dimension_semantics<subcore_parallel>], iteration_bounds = array<i64: 2, 16>, scalar_prefetch = 0 : i64, scratch_operands = 20 : i64, tpu.core_type = #tpu.core_type<sc_vector_subcore>, window_params = [{transform_indices = #map}, {transform_indices = #map}, {transform_indices = #map}, {transform_indices = #map}, {transform_indices = #map1}]} {
    %mul3A = arith.constant 16 : i32
    %mul3A_0 = arith.muli %arg0, %mul3A : i32
    %add3A = arith.addi %mul3A_0, %arg1 : i32
    %mul3A_1 = arith.constant 128 : i32
    %mul3A_2 = arith.muli %add3A, %mul3A_1 : i32
    %mul3A_3 = arith.constant 128 : i32
    %mul3A_4 = arith.muli %arg1, %mul3A_3 : i32
    %lt3A = arith.constant 15 : i32
    %lt3A_5 = arith.cmpi slt, %arg1, %lt3A : i32
    %convert_element_type3A = arith.extui %lt3A_5 : i1 to i32
    %cond3A = arith.constant 0 : i32
    %cond3A_6 = arith.cmpi ne, %convert_element_type3A, %cond3A : i32
    scf.if %cond3A_6 {
      "tpu.region"() ({
        %run_scoped3A = tpu.sem_alloc : memref<!tpu.dma_semaphore, #tpu.memory_space<semaphore_mem>>
        %dma_start3A_398 = arith.constant 0 : i32
        %dma_start3A_399 = tpu.memref_slice %arg7[%mul3A_4, %dma_start3A_398] : memref<2000x128xf32, #tpu.memory_space<vmem_shared>> -> memref<128x128xf32, #tpu.memory_space<vmem_shared>>
        %dma_start3A_400 = arith.constant 0 : i32
        %dma_start3A_401 = tpu.memref_slice %arg4[%mul3A_4, %dma_start3A_400] : memref<2000x128xf32, #tpu.memory_space<hbm>> -> memref<128x128xf32, #tpu.memory_space<hbm>>
        tpu.enqueue_dma source(%dma_start3A_401 : memref<128x128xf32, #tpu.memory_space<hbm>>) target(%dma_start3A_399 : memref<128x128xf32, #tpu.memory_space<vmem_shared>>) target_semaphore(%run_scoped3A : memref<!tpu.dma_semaphore, #tpu.memory_space<semaphore_mem>>)
        %dma_wait3A_402 = arith.constant 0 : i32
        %dma_wait3A_403 = tpu.memref_slice %arg7[%mul3A_4, %dma_wait3A_402] : memref<2000x128xf32, #tpu.memory_space<vmem_shared>> -> memref<128x128xf32, #tpu.memory_space<vmem_shared>>
        %dma_wait3A_404 = arith.constant 0 : i32
        %dma_wait3A_405 = tpu.memref_slice %arg4[%mul3A_4, %dma_wait3A_404] : memref<2000x128xf32, #tpu.memory_space<hbm>> -> memref<128x128xf32, #tpu.memory_space<hbm>>
        tpu.wait_dma2 semaphore(%run_scoped3A : memref<!tpu.dma_semaphore, #tpu.memory_space<semaphore_mem>>) src(%dma_wait3A_405 : memref<128x128xf32, #tpu.memory_space<hbm>>) dst(%dma_wait3A_403 : memref<128x128xf32, #tpu.memory_space<vmem_shared>>)
        tpu.yield
      }) : () -> ()
      "tpu.region"() ({
        %run_scoped3A = tpu.sem_alloc : memref<!tpu.dma_semaphore, #tpu.memory_space<semaphore_mem>>
        %dma_start3A_398 = arith.constant 0 : i32
        %dma_start3A_399 = tpu.memref_slice %arg8[%mul3A_4, %dma_start3A_398] : memref<2000x128xf32, #tpu.memory_space<vmem_shared>> -> memref<128x128xf32, #tpu.memory_space<vmem_shared>>
        %dma_start3A_400 = arith.constant 0 : i32
        %dma_start3A_401 = tpu.memref_slice %arg5[%mul3A_4, %dma_start3A_400] : memref<2000x128xf32, #tpu.memory_space<hbm>> -> memref<128x128xf32, #tpu.memory_space<hbm>>
        tpu.enqueue_dma source(%dma_start3A_401 : memref<128x128xf32, #tpu.memory_space<hbm>>) target(%dma_start3A_399 : memref<128x128xf32, #tpu.memory_space<vmem_shared>>) target_semaphore(%run_scoped3A : memref<!tpu.dma_semaphore, #tpu.memory_space<semaphore_mem>>)
        %dma_wait3A_402 = arith.constant 0 : i32
        %dma_wait3A_403 = tpu.memref_slice %arg8[%mul3A_4, %dma_wait3A_402] : memref<2000x128xf32, #tpu.memory_space<vmem_shared>> -> memref<128x128xf32, #tpu.memory_space<vmem_shared>>
        %dma_wait3A_404 = arith.constant 0 : i32
        %dma_wait3A_405 = tpu.memref_slice %arg5[%mul3A_4, %dma_wait3A_404] : memref<2000x128xf32, #tpu.memory_space<hbm>> -> memref<128x128xf32, #tpu.memory_space<hbm>>
        tpu.wait_dma2 semaphore(%run_scoped3A : memref<!tpu.dma_semaphore, #tpu.memory_space<semaphore_mem>>) src(%dma_wait3A_405 : memref<128x128xf32, #tpu.memory_space<hbm>>) dst(%dma_wait3A_403 : memref<128x128xf32, #tpu.memory_space<vmem_shared>>)
        tpu.yield
      }) : () -> ()
    } else {
    }
    %eq3A = arith.constant 15 : i32
    %eq3A_7 = arith.cmpi eq, %arg1, %eq3A : i32
    %convert_element_type3A_8 = arith.extui %eq3A_7 : i1 to i32
    %cond3A_9 = arith.constant 0 : i32
    %cond3A_10 = arith.cmpi ne, %convert_element_type3A_8, %cond3A_9 : i32
    scf.if %cond3A_10 {
      "tpu.region"() ({
        %run_scoped3A = tpu.sem_alloc : memref<!tpu.dma_semaphore, #tpu.memory_space<semaphore_mem>>
        %dma_start3A_398 = arith.constant 1920 : i32
        %dma_start3A_399 = arith.constant 0 : i32
        %dma_start3A_400 = tpu.memref_slice %arg7[%dma_start3A_398, %dma_start3A_399] : memref<2000x128xf32, #tpu.memory_space<vmem_shared>> -> memref<80x128xf32, #tpu.memory_space<vmem_shared>>
        %dma_start3A_401 = arith.constant 1920 : i32
        %dma_start3A_402 = arith.constant 0 : i32
        %dma_start3A_403 = tpu.memref_slice %arg4[%dma_start3A_401, %dma_start3A_402] : memref<2000x128xf32, #tpu.memory_space<hbm>> -> memref<80x128xf32, #tpu.memory_space<hbm>>
        tpu.enqueue_dma source(%dma_start3A_403 : memref<80x128xf32, #tpu.memory_space<hbm>>) target(%dma_start3A_400 : memref<80x128xf32, #tpu.memory_space<vmem_shared>>) target_semaphore(%run_scoped3A : memref<!tpu.dma_semaphore, #tpu.memory_space<semaphore_mem>>)
        %dma_wait3A_404 = arith.constant 1920 : i32
        %dma_wait3A_405 = arith.constant 0 : i32
        %dma_wait3A_406 = tpu.memref_slice %arg7[%dma_wait3A_404, %dma_wait3A_405] : memref<2000x128xf32, #tpu.memory_space<vmem_shared>> -> memref<80x128xf32, #tpu.memory_space<vmem_shared>>
        %dma_wait3A_407 = arith.constant 1920 : i32
        %dma_wait3A_408 = arith.constant 0 : i32
        %dma_wait3A_409 = tpu.memref_slice %arg4[%dma_wait3A_407, %dma_wait3A_408] : memref<2000x128xf32, #tpu.memory_space<hbm>> -> memref<80x128xf32, #tpu.memory_space<hbm>>
        tpu.wait_dma2 semaphore(%run_scoped3A : memref<!tpu.dma_semaphore, #tpu.memory_space<semaphore_mem>>) src(%dma_wait3A_409 : memref<80x128xf32, #tpu.memory_space<hbm>>) dst(%dma_wait3A_406 : memref<80x128xf32, #tpu.memory_space<vmem_shared>>)
        tpu.yield
      }) : () -> ()
      "tpu.region"() ({
        %run_scoped3A = tpu.sem_alloc : memref<!tpu.dma_semaphore, #tpu.memory_space<semaphore_mem>>
        %dma_start3A_398 = arith.constant 1920 : i32
        %dma_start3A_399 = arith.constant 0 : i32
        %dma_start3A_400 = tpu.memref_slice %arg8[%dma_start3A_398, %dma_start3A_399] : memref<2000x128xf32, #tpu.memory_space<vmem_shared>> -> memref<80x128xf32, #tpu.memory_space<vmem_shared>>
        %dma_start3A_401 = arith.constant 1920 : i32
        %dma_start3A_402 = arith.constant 0 : i32
        %dma_start3A_403 = tpu.memref_slice %arg5[%dma_start3A_401, %dma_start3A_402] : memref<2000x128xf32, #tpu.memory_space<hbm>> -> memref<80x128xf32, #tpu.memory_space<hbm>>
        tpu.enqueue_dma source(%dma_start3A_403 : memref<80x128xf32, #tpu.memory_space<hbm>>) target(%dma_start3A_400 : memref<80x128xf32, #tpu.memory_space<vmem_shared>>) target_semaphore(%run_scoped3A : memref<!tpu.dma_semaphore, #tpu.memory_space<semaphore_mem>>)
        %dma_wait3A_404 = arith.constant 1920 : i32
        %dma_wait3A_405 = arith.constant 0 : i32
        %dma_wait3A_406 = tpu.memref_slice %arg8[%dma_wait3A_404, %dma_wait3A_405] : memref<2000x128xf32, #tpu.memory_space<vmem_shared>> -> memref<80x128xf32, #tpu.memory_space<vmem_shared>>
        %dma_wait3A_407 = arith.constant 1920 : i32
        %dma_wait3A_408 = arith.constant 0 : i32
        %dma_wait3A_409 = tpu.memref_slice %arg5[%dma_wait3A_407, %dma_wait3A_408] : memref<2000x128xf32, #tpu.memory_space<hbm>> -> memref<80x128xf32, #tpu.memory_space<hbm>>
        tpu.wait_dma2 semaphore(%run_scoped3A : memref<!tpu.dma_semaphore, #tpu.memory_space<semaphore_mem>>) src(%dma_wait3A_409 : memref<80x128xf32, #tpu.memory_space<hbm>>) dst(%dma_wait3A_406 : memref<80x128xf32, #tpu.memory_space<vmem_shared>>)
        tpu.yield
      }) : () -> ()
    } else {
    }
    "tpu.region"() ({
      %run_scoped3A = tpu.sem_alloc : memref<!tpu.dma_semaphore, #tpu.memory_space<semaphore_mem>>
      %dma_start3A_398 = arith.constant 0 : i32
      %dma_start3A_399 = tpu.memref_slice %arg2[%mul3A_2, %dma_start3A_398] : memref<4096x50xi32, #tpu.memory_space<hbm>> -> memref<128x50xi32, #tpu.memory_space<hbm>>
      %dma_start3A_400 = arith.constant 0 : i32
      %dma_start3A_401 = tpu.memref_slice %arg2[%mul3A_2, %dma_start3A_400] : memref<4096x50xi32, #tpu.memory_space<hbm>> -> memref<128x50xi32, #tpu.memory_space<hbm>>
      tpu.enqueue_dma source(%dma_start3A_401 : memref<128x50xi32, #tpu.memory_space<hbm>>) target(%arg9 : memref<128x50xi32, #tpu.memory_space<vmem>>) target_semaphore(%run_scoped3A : memref<!tpu.dma_semaphore, #tpu.memory_space<semaphore_mem>>)
      %dma_wait3A_402 = arith.constant 0 : i32
      %dma_wait3A_403 = tpu.memref_slice %arg2[%mul3A_2, %dma_wait3A_402] : memref<4096x50xi32, #tpu.memory_space<hbm>> -> memref<128x50xi32, #tpu.memory_space<hbm>>
      %dma_wait3A_404 = arith.constant 0 : i32
      %dma_wait3A_405 = tpu.memref_slice %arg2[%mul3A_2, %dma_wait3A_404] : memref<4096x50xi32, #tpu.memory_space<hbm>> -> memref<128x50xi32, #tpu.memory_space<hbm>>
      tpu.wait_dma2 semaphore(%run_scoped3A : memref<!tpu.dma_semaphore, #tpu.memory_space<semaphore_mem>>) src(%dma_wait3A_405 : memref<128x50xi32, #tpu.memory_space<hbm>>) dst(%arg9 : memref<128x50xi32, #tpu.memory_space<vmem>>)
      tpu.yield
    }) : () -> ()
    "tpu.region"() ({
      %run_scoped3A = tpu.sem_alloc : memref<!tpu.dma_semaphore, #tpu.memory_space<semaphore_mem>>
      %dma_start3A_398 = arith.constant 0 : i32
      %dma_start3A_399 = tpu.memref_slice %arg3[%mul3A_2, %dma_start3A_398] : memref<4096x50xi32, #tpu.memory_space<hbm>> -> memref<128x50xi32, #tpu.memory_space<hbm>>
      %dma_start3A_400 = arith.constant 0 : i32
      %dma_start3A_401 = tpu.memref_slice %arg3[%mul3A_2, %dma_start3A_400] : memref<4096x50xi32, #tpu.memory_space<hbm>> -> memref<128x50xi32, #tpu.memory_space<hbm>>
      tpu.enqueue_dma source(%dma_start3A_401 : memref<128x50xi32, #tpu.memory_space<hbm>>) target(%arg10 : memref<128x50xi32, #tpu.memory_space<vmem>>) target_semaphore(%run_scoped3A : memref<!tpu.dma_semaphore, #tpu.memory_space<semaphore_mem>>)
      %dma_wait3A_402 = arith.constant 0 : i32
      %dma_wait3A_403 = tpu.memref_slice %arg3[%mul3A_2, %dma_wait3A_402] : memref<4096x50xi32, #tpu.memory_space<hbm>> -> memref<128x50xi32, #tpu.memory_space<hbm>>
      %dma_wait3A_404 = arith.constant 0 : i32
      %dma_wait3A_405 = tpu.memref_slice %arg3[%mul3A_2, %dma_wait3A_404] : memref<4096x50xi32, #tpu.memory_space<hbm>> -> memref<128x50xi32, #tpu.memory_space<hbm>>
      tpu.wait_dma2 semaphore(%run_scoped3A : memref<!tpu.dma_semaphore, #tpu.memory_space<semaphore_mem>>) src(%dma_wait3A_405 : memref<128x50xi32, #tpu.memory_space<hbm>>) dst(%arg10 : memref<128x50xi32, #tpu.memory_space<vmem>>)
      tpu.yield
    }) : () -> ()
    %barrier3A = arith.constant 0 : index
    tpu.barrier barrier_id(%barrier3A)
    %dma_start3A = arith.constant 0 : i32
    %dma_start3A_11 = arith.constant 0 : i32
    %dma_start3A_12 = tpu.memref_slice %arg9[%dma_start3A, %dma_start3A_11] : memref<128x50xi32, #tpu.memory_space<vmem>> -> memref<1x50xi32, #tpu.memory_space<vmem>>
    %dma_start3A_13 = tpu.memref_squeeze %dma_start3A_12 : memref<1x50xi32, #tpu.memory_space<vmem>> -> memref<50xi32, #tpu.memory_space<vmem>>
    %dma_start3A_14 = arith.constant 0 : i32
    %dma_start3A_15 = arith.constant 0 : i32
    %dma_start3A_16 = tpu.memref_slice %arg7[%dma_start3A_14, %dma_start3A_15] : memref<2000x128xf32, #tpu.memory_space<vmem_shared>> -> memref<2000x128xf32, #tpu.memory_space<vmem_shared>>
    tpu.enqueue_indirect_dma source(%dma_start3A_16 : memref<2000x128xf32, #tpu.memory_space<vmem_shared>>) target(%arg11 : memref<50x128xf32, #tpu.memory_space<vmem>>) offsets(%dma_start3A_13 : memref<50xi32, #tpu.memory_space<vmem>>) semaphore(%arg19 : memref<!tpu.dma_semaphore, #tpu.memory_space<semaphore_mem>>)
    %dma_start3A_17 = arith.constant 0 : i32
    %dma_start3A_18 = arith.constant 0 : i32
    %dma_start3A_19 = tpu.memref_slice %arg10[%dma_start3A_17, %dma_start3A_18] : memref<128x50xi32, #tpu.memory_space<vmem>> -> memref<1x50xi32, #tpu.memory_space<vmem>>
    %dma_start3A_20 = tpu.memref_squeeze %dma_start3A_19 : memref<1x50xi32, #tpu.memory_space<vmem>> -> memref<50xi32, #tpu.memory_space<vmem>>
    %dma_start3A_21 = arith.constant 0 : i32
    %dma_start3A_22 = arith.constant 0 : i32
    %dma_start3A_23 = tpu.memref_slice %arg8[%dma_start3A_21, %dma_start3A_22] : memref<2000x128xf32, #tpu.memory_space<vmem_shared>> -> memref<2000x128xf32, #tpu.memory_space<vmem_shared>>
    tpu.enqueue_indirect_dma source(%dma_start3A_23 : memref<2000x128xf32, #tpu.memory_space<vmem_shared>>) target(%arg12 : memref<50x128xf32, #tpu.memory_space<vmem>>) offsets(%dma_start3A_20 : memref<50xi32, #tpu.memory_space<vmem>>) semaphore(%arg19 : memref<!tpu.dma_semaphore, #tpu.memory_space<semaphore_mem>>)
    %dma_start3A_24 = arith.constant 1 : i32
    %dma_start3A_25 = arith.constant 0 : i32
    %dma_start3A_26 = tpu.memref_slice %arg9[%dma_start3A_24, %dma_start3A_25] : memref<128x50xi32, #tpu.memory_space<vmem>> -> memref<1x50xi32, #tpu.memory_space<vmem>>
    %dma_start3A_27 = tpu.memref_squeeze %dma_start3A_26 : memref<1x50xi32, #tpu.memory_space<vmem>> -> memref<50xi32, #tpu.memory_space<vmem>>
    %dma_start3A_28 = arith.constant 0 : i32
    %dma_start3A_29 = arith.constant 0 : i32
    %dma_start3A_30 = tpu.memref_slice %arg7[%dma_start3A_28, %dma_start3A_29] : memref<2000x128xf32, #tpu.memory_space<vmem_shared>> -> memref<2000x128xf32, #tpu.memory_space<vmem_shared>>
    tpu.enqueue_indirect_dma source(%dma_start3A_30 : memref<2000x128xf32, #tpu.memory_space<vmem_shared>>) target(%arg13 : memref<50x128xf32, #tpu.memory_space<vmem>>) offsets(%dma_start3A_27 : memref<50xi32, #tpu.memory_space<vmem>>) semaphore(%arg21 : memref<!tpu.dma_semaphore, #tpu.memory_space<semaphore_mem>>)
    %dma_start3A_31 = arith.constant 1 : i32
    %dma_start3A_32 = arith.constant 0 : i32
    %dma_start3A_33 = tpu.memref_slice %arg10[%dma_start3A_31, %dma_start3A_32] : memref<128x50xi32, #tpu.memory_space<vmem>> -> memref<1x50xi32, #tpu.memory_space<vmem>>
    %dma_start3A_34 = tpu.memref_squeeze %dma_start3A_33 : memref<1x50xi32, #tpu.memory_space<vmem>> -> memref<50xi32, #tpu.memory_space<vmem>>
    %dma_start3A_35 = arith.constant 0 : i32
    %dma_start3A_36 = arith.constant 0 : i32
    %dma_start3A_37 = tpu.memref_slice %arg8[%dma_start3A_35, %dma_start3A_36] : memref<2000x128xf32, #tpu.memory_space<vmem_shared>> -> memref<2000x128xf32, #tpu.memory_space<vmem_shared>>
    tpu.enqueue_indirect_dma source(%dma_start3A_37 : memref<2000x128xf32, #tpu.memory_space<vmem_shared>>) target(%arg14 : memref<50x128xf32, #tpu.memory_space<vmem>>) offsets(%dma_start3A_34 : memref<50xi32, #tpu.memory_space<vmem>>) semaphore(%arg21 : memref<!tpu.dma_semaphore, #tpu.memory_space<semaphore_mem>>)
    %dma_start3A_38 = arith.constant 2 : i32
    %dma_start3A_39 = arith.constant 0 : i32
    %dma_start3A_40 = tpu.memref_slice %arg9[%dma_start3A_38, %dma_start3A_39] : memref<128x50xi32, #tpu.memory_space<vmem>> -> memref<1x50xi32, #tpu.memory_space<vmem>>
    %dma_start3A_41 = tpu.memref_squeeze %dma_start3A_40 : memref<1x50xi32, #tpu.memory_space<vmem>> -> memref<50xi32, #tpu.memory_space<vmem>>
    %dma_start3A_42 = arith.constant 0 : i32
    %dma_start3A_43 = arith.constant 0 : i32
    %dma_start3A_44 = tpu.memref_slice %arg7[%dma_start3A_42, %dma_start3A_43] : memref<2000x128xf32, #tpu.memory_space<vmem_shared>> -> memref<2000x128xf32, #tpu.memory_space<vmem_shared>>
    tpu.enqueue_indirect_dma source(%dma_start3A_44 : memref<2000x128xf32, #tpu.memory_space<vmem_shared>>) target(%arg15 : memref<50x128xf32, #tpu.memory_space<vmem>>) offsets(%dma_start3A_41 : memref<50xi32, #tpu.memory_space<vmem>>) semaphore(%arg23 : memref<!tpu.dma_semaphore, #tpu.memory_space<semaphore_mem>>)
    %dma_start3A_45 = arith.constant 2 : i32
    %dma_start3A_46 = arith.constant 0 : i32
    %dma_start3A_47 = tpu.memref_slice %arg10[%dma_start3A_45, %dma_start3A_46] : memref<128x50xi32, #tpu.memory_space<vmem>> -> memref<1x50xi32, #tpu.memory_space<vmem>>
    %dma_start3A_48 = tpu.memref_squeeze %dma_start3A_47 : memref<1x50xi32, #tpu.memory_space<vmem>> -> memref<50xi32, #tpu.memory_space<vmem>>
    %dma_start3A_49 = arith.constant 0 : i32
    %dma_start3A_50 = arith.constant 0 : i32
    %dma_start3A_51 = tpu.memref_slice %arg8[%dma_start3A_49, %dma_start3A_50] : memref<2000x128xf32, #tpu.memory_space<vmem_shared>> -> memref<2000x128xf32, #tpu.memory_space<vmem_shared>>
    tpu.enqueue_indirect_dma source(%dma_start3A_51 : memref<2000x128xf32, #tpu.memory_space<vmem_shared>>) target(%arg16 : memref<50x128xf32, #tpu.memory_space<vmem>>) offsets(%dma_start3A_48 : memref<50xi32, #tpu.memory_space<vmem>>) semaphore(%arg23 : memref<!tpu.dma_semaphore, #tpu.memory_space<semaphore_mem>>)
    %dma_start3A_52 = arith.constant 3 : i32
    %dma_start3A_53 = arith.constant 0 : i32
    %dma_start3A_54 = tpu.memref_slice %arg9[%dma_start3A_52, %dma_start3A_53] : memref<128x50xi32, #tpu.memory_space<vmem>> -> memref<1x50xi32, #tpu.memory_space<vmem>>
    %dma_start3A_55 = tpu.memref_squeeze %dma_start3A_54 : memref<1x50xi32, #tpu.memory_space<vmem>> -> memref<50xi32, #tpu.memory_space<vmem>>
    %dma_start3A_56 = arith.constant 0 : i32
    %dma_start3A_57 = arith.constant 0 : i32
    %dma_start3A_58 = tpu.memref_slice %arg7[%dma_start3A_56, %dma_start3A_57] : memref<2000x128xf32, #tpu.memory_space<vmem_shared>> -> memref<2000x128xf32, #tpu.memory_space<vmem_shared>>
    tpu.enqueue_indirect_dma source(%dma_start3A_58 : memref<2000x128xf32, #tpu.memory_space<vmem_shared>>) target(%arg17 : memref<50x128xf32, #tpu.memory_space<vmem>>) offsets(%dma_start3A_55 : memref<50xi32, #tpu.memory_space<vmem>>) semaphore(%arg25 : memref<!tpu.dma_semaphore, #tpu.memory_space<semaphore_mem>>)
    %dma_start3A_59 = arith.constant 3 : i32
    %dma_start3A_60 = arith.constant 0 : i32
    %dma_start3A_61 = tpu.memref_slice %arg10[%dma_start3A_59, %dma_start3A_60] : memref<128x50xi32, #tpu.memory_space<vmem>> -> memref<1x50xi32, #tpu.memory_space<vmem>>
    %dma_start3A_62 = tpu.memref_squeeze %dma_start3A_61 : memref<1x50xi32, #tpu.memory_space<vmem>> -> memref<50xi32, #tpu.memory_space<vmem>>
    %dma_start3A_63 = arith.constant 0 : i32
    %dma_start3A_64 = arith.constant 0 : i32
    %dma_start3A_65 = tpu.memref_slice %arg8[%dma_start3A_63, %dma_start3A_64] : memref<2000x128xf32, #tpu.memory_space<vmem_shared>> -> memref<2000x128xf32, #tpu.memory_space<vmem_shared>>
    tpu.enqueue_indirect_dma source(%dma_start3A_65 : memref<2000x128xf32, #tpu.memory_space<vmem_shared>>) target(%arg18 : memref<50x128xf32, #tpu.memory_space<vmem>>) offsets(%dma_start3A_62 : memref<50xi32, #tpu.memory_space<vmem>>) semaphore(%arg25 : memref<!tpu.dma_semaphore, #tpu.memory_space<semaphore_mem>>)
    %scan3A = arith.constant 0 : i32
    %scan3A_66 = arith.constant 0 : i32
    %scan3A_67 = arith.constant 31 : i32
    %scan3A_68 = arith.addi %scan3A_66, %scan3A_67 : i32
    %scan3A_69 = arith.constant 1 : i32
    scf.for %scan3A_398 = %scan3A_66 to %scan3A_68 step %scan3A_69  : i32 {
      %mul3A_399 = arith.constant 4 : i32
      %mul3A_400 = arith.muli %mul3A_399, %scan3A_398 : i32
      %add3A_401 = arith.constant 0 : i32
      %add3A_402 = arith.addi %mul3A_400, %add3A_401 : i32
      %dma_wait3A_403 = arith.constant 0 : i32
      %dma_wait3A_404 = arith.constant 0 : i32
      %dma_wait3A_405 = arith.constant 0 : i32
      %dma_wait3A_406 = tpu.memref_slice %arg6[%dma_wait3A_403, %dma_wait3A_404, %dma_wait3A_405] : memref<4096x50x256xf32, #tpu.memory_space<hbm>> -> memref<1x50x128xf32, #tpu.memory_space<hbm>>
      %dma_wait3A_407 = arith.constant 0 : i32
      %dma_wait3A_408 = arith.constant 0 : i32
      %dma_wait3A_409 = arith.constant 0 : i32
      %dma_wait3A_410 = tpu.memref_slice %arg6[%dma_wait3A_407, %dma_wait3A_408, %dma_wait3A_409] : memref<4096x50x256xf32, #tpu.memory_space<hbm>> -> memref<1x50x128xf32, #tpu.memory_space<hbm>>
      tpu.wait_dma2 semaphore(%arg19 : memref<!tpu.dma_semaphore, #tpu.memory_space<semaphore_mem>>) src(%arg11 : memref<50x128xf32, #tpu.memory_space<vmem>>) dst(%dma_wait3A_410 : memref<1x50x128xf32, #tpu.memory_space<hbm>>)
      %dma_wait3A_411 = arith.constant 0 : i32
      %dma_wait3A_412 = arith.constant 0 : i32
      %dma_wait3A_413 = arith.constant 128 : i32
      %dma_wait3A_414 = tpu.memref_slice %arg6[%dma_wait3A_411, %dma_wait3A_412, %dma_wait3A_413] : memref<4096x50x256xf32, #tpu.memory_space<hbm>> -> memref<1x50x128xf32, #tpu.memory_space<hbm>>
      %dma_wait3A_415 = arith.constant 0 : i32
      %dma_wait3A_416 = arith.constant 0 : i32
      %dma_wait3A_417 = arith.constant 128 : i32
      %dma_wait3A_418 = tpu.memref_slice %arg6[%dma_wait3A_415, %dma_wait3A_416, %dma_wait3A_417] : memref<4096x50x256xf32, #tpu.memory_space<hbm>> -> memref<1x50x128xf32, #tpu.memory_space<hbm>>
      tpu.wait_dma2 semaphore(%arg19 : memref<!tpu.dma_semaphore, #tpu.memory_space<semaphore_mem>>) src(%arg12 : memref<50x128xf32, #tpu.memory_space<vmem>>) dst(%dma_wait3A_418 : memref<1x50x128xf32, #tpu.memory_space<hbm>>)
      %add3A_419 = arith.addi %mul3A_2, %add3A_402 : i32
      %mul3A_420 = arith.constant 1 : i32
      %mul3A_421 = arith.muli %add3A_419, %mul3A_420 : i32
      %add3A_422 = arith.constant 0 : i32
      %add3A_423 = arith.addi %mul3A_421, %add3A_422 : i32
      %dma_start3A_424 = arith.constant 0 : i32
      %dma_start3A_425 = arith.constant 0 : i32
      %dma_start3A_426 = tpu.memref_slice %arg11[%dma_start3A_424, %dma_start3A_425] : memref<50x128xf32, #tpu.memory_space<vmem>> -> memref<50x128xf32, #tpu.memory_space<vmem>>
      %dma_start3A_427 = arith.constant 0 : i32
      %dma_start3A_428 = arith.constant 0 : i32
      %dma_start3A_429 = tpu.memref_slice %arg6[%add3A_423, %dma_start3A_427, %dma_start3A_428] : memref<4096x50x256xf32, #tpu.memory_space<hbm>> -> memref<1x50x128xf32, #tpu.memory_space<hbm>>
      %dma_start3A_430 = tpu.memref_squeeze %dma_start3A_429 : memref<1x50x128xf32, #tpu.memory_space<hbm>> -> memref<50x128xf32, #tpu.memory_space<hbm>>
      %dma_start3A_431 = arith.constant 0 : i32
      %dma_start3A_432 = arith.constant 0 : i32
      %dma_start3A_433 = tpu.memref_slice %arg6[%add3A_423, %dma_start3A_431, %dma_start3A_432] : memref<4096x50x256xf32, #tpu.memory_space<hbm>> -> memref<1x50x128xf32, #tpu.memory_space<hbm>>
      %dma_start3A_434 = tpu.memref_squeeze %dma_start3A_433 : memref<1x50x128xf32, #tpu.memory_space<hbm>> -> memref<50x128xf32, #tpu.memory_space<hbm>>
      %dma_start3A_435 = arith.constant 0 : i32
      %dma_start3A_436 = arith.constant 0 : i32
      %dma_start3A_437 = tpu.memref_slice %arg11[%dma_start3A_435, %dma_start3A_436] : memref<50x128xf32, #tpu.memory_space<vmem>> -> memref<50x128xf32, #tpu.memory_space<vmem>>
      tpu.enqueue_dma source(%dma_start3A_437 : memref<50x128xf32, #tpu.memory_space<vmem>>) target(%dma_start3A_434 : memref<50x128xf32, #tpu.memory_space<hbm>>) target_semaphore(%arg20 : memref<!tpu.dma_semaphore, #tpu.memory_space<semaphore_mem>>)
      %add3A_438 = arith.constant 0 : i32
      %add3A_439 = arith.addi %mul3A_421, %add3A_438 : i32
      %dma_start3A_440 = arith.constant 0 : i32
      %dma_start3A_441 = arith.constant 0 : i32
      %dma_start3A_442 = tpu.memref_slice %arg12[%dma_start3A_440, %dma_start3A_441] : memref<50x128xf32, #tpu.memory_space<vmem>> -> memref<50x128xf32, #tpu.memory_space<vmem>>
      %dma_start3A_443 = arith.constant 0 : i32
      %dma_start3A_444 = arith.constant 128 : i32
      %dma_start3A_445 = tpu.memref_slice %arg6[%add3A_439, %dma_start3A_443, %dma_start3A_444] : memref<4096x50x256xf32, #tpu.memory_space<hbm>> -> memref<1x50x128xf32, #tpu.memory_space<hbm>>
      %dma_start3A_446 = tpu.memref_squeeze %dma_start3A_445 : memref<1x50x128xf32, #tpu.memory_space<hbm>> -> memref<50x128xf32, #tpu.memory_space<hbm>>
      %dma_start3A_447 = arith.constant 0 : i32
      %dma_start3A_448 = arith.constant 128 : i32
      %dma_start3A_449 = tpu.memref_slice %arg6[%add3A_439, %dma_start3A_447, %dma_start3A_448] : memref<4096x50x256xf32, #tpu.memory_space<hbm>> -> memref<1x50x128xf32, #tpu.memory_space<hbm>>
      %dma_start3A_450 = tpu.memref_squeeze %dma_start3A_449 : memref<1x50x128xf32, #tpu.memory_space<hbm>> -> memref<50x128xf32, #tpu.memory_space<hbm>>
      %dma_start3A_451 = arith.constant 0 : i32
      %dma_start3A_452 = arith.constant 0 : i32
      %dma_start3A_453 = tpu.memref_slice %arg12[%dma_start3A_451, %dma_start3A_452] : memref<50x128xf32, #tpu.memory_space<vmem>> -> memref<50x128xf32, #tpu.memory_space<vmem>>
      tpu.enqueue_dma source(%dma_start3A_453 : memref<50x128xf32, #tpu.memory_space<vmem>>) target(%dma_start3A_450 : memref<50x128xf32, #tpu.memory_space<hbm>>) target_semaphore(%arg20 : memref<!tpu.dma_semaphore, #tpu.memory_space<semaphore_mem>>)
      %dma_wait3A_454 = arith.constant 0 : i32
      %dma_wait3A_455 = arith.constant 0 : i32
      %dma_wait3A_456 = arith.constant 0 : i32
      %dma_wait3A_457 = tpu.memref_slice %arg11[%dma_wait3A_455, %dma_wait3A_456] : memref<50x128xf32, #tpu.memory_space<vmem>> -> memref<50x128xf32, #tpu.memory_space<vmem>>
      %dma_wait3A_458 = arith.constant 0 : i32
      %dma_wait3A_459 = arith.constant 0 : i32
      %dma_wait3A_460 = tpu.memref_slice %arg6[%dma_wait3A_454, %dma_wait3A_458, %dma_wait3A_459] : memref<4096x50x256xf32, #tpu.memory_space<hbm>> -> memref<1x50x128xf32, #tpu.memory_space<hbm>>
      %dma_wait3A_461 = tpu.memref_squeeze %dma_wait3A_460 : memref<1x50x128xf32, #tpu.memory_space<hbm>> -> memref<50x128xf32, #tpu.memory_space<hbm>>
      %dma_wait3A_462 = arith.constant 0 : i32
      %dma_wait3A_463 = arith.constant 0 : i32
      %dma_wait3A_464 = tpu.memref_slice %arg6[%dma_wait3A_454, %dma_wait3A_462, %dma_wait3A_463] : memref<4096x50x256xf32, #tpu.memory_space<hbm>> -> memref<1x50x128xf32, #tpu.memory_space<hbm>>
      %dma_wait3A_465 = tpu.memref_squeeze %dma_wait3A_464 : memref<1x50x128xf32, #tpu.memory_space<hbm>> -> memref<50x128xf32, #tpu.memory_space<hbm>>
      %dma_wait3A_466 = arith.constant 0 : i32
      %dma_wait3A_467 = arith.constant 0 : i32
      %dma_wait3A_468 = tpu.memref_slice %arg11[%dma_wait3A_466, %dma_wait3A_467] : memref<50x128xf32, #tpu.memory_space<vmem>> -> memref<50x128xf32, #tpu.memory_space<vmem>>
      tpu.wait_dma2 semaphore(%arg20 : memref<!tpu.dma_semaphore, #tpu.memory_space<semaphore_mem>>) src(%dma_wait3A_468 : memref<50x128xf32, #tpu.memory_space<vmem>>) dst(%dma_wait3A_465 : memref<50x128xf32, #tpu.memory_space<hbm>>)
      %dma_wait3A_469 = arith.constant 0 : i32
      %dma_wait3A_470 = arith.constant 0 : i32
      %dma_wait3A_471 = arith.constant 0 : i32
      %dma_wait3A_472 = tpu.memref_slice %arg12[%dma_wait3A_470, %dma_wait3A_471] : memref<50x128xf32, #tpu.memory_space<vmem>> -> memref<50x128xf32, #tpu.memory_space<vmem>>
      %dma_wait3A_473 = arith.constant 0 : i32
      %dma_wait3A_474 = arith.constant 128 : i32
      %dma_wait3A_475 = tpu.memref_slice %arg6[%dma_wait3A_469, %dma_wait3A_473, %dma_wait3A_474] : memref<4096x50x256xf32, #tpu.memory_space<hbm>> -> memref<1x50x128xf32, #tpu.memory_space<hbm>>
      %dma_wait3A_476 = tpu.memref_squeeze %dma_wait3A_475 : memref<1x50x128xf32, #tpu.memory_space<hbm>> -> memref<50x128xf32, #tpu.memory_space<hbm>>
      %dma_wait3A_477 = arith.constant 0 : i32
      %dma_wait3A_478 = arith.constant 128 : i32
      %dma_wait3A_479 = tpu.memref_slice %arg6[%dma_wait3A_469, %dma_wait3A_477, %dma_wait3A_478] : memref<4096x50x256xf32, #tpu.memory_space<hbm>> -> memref<1x50x128xf32, #tpu.memory_space<hbm>>
      %dma_wait3A_480 = tpu.memref_squeeze %dma_wait3A_479 : memref<1x50x128xf32, #tpu.memory_space<hbm>> -> memref<50x128xf32, #tpu.memory_space<hbm>>
      %dma_wait3A_481 = arith.constant 0 : i32
      %dma_wait3A_482 = arith.constant 0 : i32
      %dma_wait3A_483 = tpu.memref_slice %arg12[%dma_wait3A_481, %dma_wait3A_482] : memref<50x128xf32, #tpu.memory_space<vmem>> -> memref<50x128xf32, #tpu.memory_space<vmem>>
      tpu.wait_dma2 semaphore(%arg20 : memref<!tpu.dma_semaphore, #tpu.memory_space<semaphore_mem>>) src(%dma_wait3A_483 : memref<50x128xf32, #tpu.memory_space<vmem>>) dst(%dma_wait3A_480 : memref<50x128xf32, #tpu.memory_space<hbm>>)
      %add3A_484 = arith.constant 4 : i32
      %add3A_485 = arith.addi %add3A_402, %add3A_484 : i32
      %dma_start3A_486 = arith.constant 0 : i32
      %dma_start3A_487 = tpu.memref_slice %arg9[%add3A_485, %dma_start3A_486] : memref<128x50xi32, #tpu.memory_space<vmem>> -> memref<1x50xi32, #tpu.memory_space<vmem>>
      %dma_start3A_488 = tpu.memref_squeeze %dma_start3A_487 : memref<1x50xi32, #tpu.memory_space<vmem>> -> memref<50xi32, #tpu.memory_space<vmem>>
      %dma_start3A_489 = arith.constant 0 : i32
      %dma_start3A_490 = arith.constant 0 : i32
      %dma_start3A_491 = tpu.memref_slice %arg7[%dma_start3A_489, %dma_start3A_490] : memref<2000x128xf32, #tpu.memory_space<vmem_shared>> -> memref<2000x128xf32, #tpu.memory_space<vmem_shared>>
      tpu.enqueue_indirect_dma source(%dma_start3A_491 : memref<2000x128xf32, #tpu.memory_space<vmem_shared>>) target(%arg11 : memref<50x128xf32, #tpu.memory_space<vmem>>) offsets(%dma_start3A_488 : memref<50xi32, #tpu.memory_space<vmem>>) semaphore(%arg19 : memref<!tpu.dma_semaphore, #tpu.memory_space<semaphore_mem>>)
      %dma_start3A_492 = arith.constant 0 : i32
      %dma_start3A_493 = tpu.memref_slice %arg10[%add3A_485, %dma_start3A_492] : memref<128x50xi32, #tpu.memory_space<vmem>> -> memref<1x50xi32, #tpu.memory_space<vmem>>
      %dma_start3A_494 = tpu.memref_squeeze %dma_start3A_493 : memref<1x50xi32, #tpu.memory_space<vmem>> -> memref<50xi32, #tpu.memory_space<vmem>>
      %dma_start3A_495 = arith.constant 0 : i32
      %dma_start3A_496 = arith.constant 0 : i32
      %dma_start3A_497 = tpu.memref_slice %arg8[%dma_start3A_495, %dma_start3A_496] : memref<2000x128xf32, #tpu.memory_space<vmem_shared>> -> memref<2000x128xf32, #tpu.memory_space<vmem_shared>>
      tpu.enqueue_indirect_dma source(%dma_start3A_497 : memref<2000x128xf32, #tpu.memory_space<vmem_shared>>) target(%arg12 : memref<50x128xf32, #tpu.memory_space<vmem>>) offsets(%dma_start3A_494 : memref<50xi32, #tpu.memory_space<vmem>>) semaphore(%arg19 : memref<!tpu.dma_semaphore, #tpu.memory_space<semaphore_mem>>)
      %add3A_498 = arith.constant 1 : i32
      %add3A_499 = arith.addi %mul3A_400, %add3A_498 : i32
      %dma_wait3A_500 = arith.constant 0 : i32
      %dma_wait3A_501 = arith.constant 0 : i32
      %dma_wait3A_502 = arith.constant 0 : i32
      %dma_wait3A_503 = tpu.memref_slice %arg6[%dma_wait3A_500, %dma_wait3A_501, %dma_wait3A_502] : memref<4096x50x256xf32, #tpu.memory_space<hbm>> -> memref<1x50x128xf32, #tpu.memory_space<hbm>>
      %dma_wait3A_504 = arith.constant 0 : i32
      %dma_wait3A_505 = arith.constant 0 : i32
      %dma_wait3A_506 = arith.constant 0 : i32
      %dma_wait3A_507 = tpu.memref_slice %arg6[%dma_wait3A_504, %dma_wait3A_505, %dma_wait3A_506] : memref<4096x50x256xf32, #tpu.memory_space<hbm>> -> memref<1x50x128xf32, #tpu.memory_space<hbm>>
      tpu.wait_dma2 semaphore(%arg21 : memref<!tpu.dma_semaphore, #tpu.memory_space<semaphore_mem>>) src(%arg13 : memref<50x128xf32, #tpu.memory_space<vmem>>) dst(%dma_wait3A_507 : memref<1x50x128xf32, #tpu.memory_space<hbm>>)
      %dma_wait3A_508 = arith.constant 0 : i32
      %dma_wait3A_509 = arith.constant 0 : i32
      %dma_wait3A_510 = arith.constant 128 : i32
      %dma_wait3A_511 = tpu.memref_slice %arg6[%dma_wait3A_508, %dma_wait3A_509, %dma_wait3A_510] : memref<4096x50x256xf32, #tpu.memory_space<hbm>> -> memref<1x50x128xf32, #tpu.memory_space<hbm>>
      %dma_wait3A_512 = arith.constant 0 : i32
      %dma_wait3A_513 = arith.constant 0 : i32
      %dma_wait3A_514 = arith.constant 128 : i32
      %dma_wait3A_515 = tpu.memref_slice %arg6[%dma_wait3A_512, %dma_wait3A_513, %dma_wait3A_514] : memref<4096x50x256xf32, #tpu.memory_space<hbm>> -> memref<1x50x128xf32, #tpu.memory_space<hbm>>
      tpu.wait_dma2 semaphore(%arg21 : memref<!tpu.dma_semaphore, #tpu.memory_space<semaphore_mem>>) src(%arg14 : memref<50x128xf32, #tpu.memory_space<vmem>>) dst(%dma_wait3A_515 : memref<1x50x128xf32, #tpu.memory_space<hbm>>)
      %add3A_516 = arith.addi %mul3A_2, %add3A_499 : i32
      %mul3A_517 = arith.constant 1 : i32
      %mul3A_518 = arith.muli %add3A_516, %mul3A_517 : i32
      %add3A_519 = arith.constant 0 : i32
      %add3A_520 = arith.addi %mul3A_518, %add3A_519 : i32
      %dma_start3A_521 = arith.constant 0 : i32
      %dma_start3A_522 = arith.constant 0 : i32
      %dma_start3A_523 = tpu.memref_slice %arg13[%dma_start3A_521, %dma_start3A_522] : memref<50x128xf32, #tpu.memory_space<vmem>> -> memref<50x128xf32, #tpu.memory_space<vmem>>
      %dma_start3A_524 = arith.constant 0 : i32
      %dma_start3A_525 = arith.constant 0 : i32
      %dma_start3A_526 = tpu.memref_slice %arg6[%add3A_520, %dma_start3A_524, %dma_start3A_525] : memref<4096x50x256xf32, #tpu.memory_space<hbm>> -> memref<1x50x128xf32, #tpu.memory_space<hbm>>
      %dma_start3A_527 = tpu.memref_squeeze %dma_start3A_526 : memref<1x50x128xf32, #tpu.memory_space<hbm>> -> memref<50x128xf32, #tpu.memory_space<hbm>>
      %dma_start3A_528 = arith.constant 0 : i32
      %dma_start3A_529 = arith.constant 0 : i32
      %dma_start3A_530 = tpu.memref_slice %arg6[%add3A_520, %dma_start3A_528, %dma_start3A_529] : memref<4096x50x256xf32, #tpu.memory_space<hbm>> -> memref<1x50x128xf32, #tpu.memory_space<hbm>>
      %dma_start3A_531 = tpu.memref_squeeze %dma_start3A_530 : memref<1x50x128xf32, #tpu.memory_space<hbm>> -> memref<50x128xf32, #tpu.memory_space<hbm>>
      %dma_start3A_532 = arith.constant 0 : i32
      %dma_start3A_533 = arith.constant 0 : i32
      %dma_start3A_534 = tpu.memref_slice %arg13[%dma_start3A_532, %dma_start3A_533] : memref<50x128xf32, #tpu.memory_space<vmem>> -> memref<50x128xf32, #tpu.memory_space<vmem>>
      tpu.enqueue_dma source(%dma_start3A_534 : memref<50x128xf32, #tpu.memory_space<vmem>>) target(%dma_start3A_531 : memref<50x128xf32, #tpu.memory_space<hbm>>) target_semaphore(%arg22 : memref<!tpu.dma_semaphore, #tpu.memory_space<semaphore_mem>>)
      %add3A_535 = arith.constant 0 : i32
      %add3A_536 = arith.addi %mul3A_518, %add3A_535 : i32
      %dma_start3A_537 = arith.constant 0 : i32
      %dma_start3A_538 = arith.constant 0 : i32
      %dma_start3A_539 = tpu.memref_slice %arg14[%dma_start3A_537, %dma_start3A_538] : memref<50x128xf32, #tpu.memory_space<vmem>> -> memref<50x128xf32, #tpu.memory_space<vmem>>
      %dma_start3A_540 = arith.constant 0 : i32
      %dma_start3A_541 = arith.constant 128 : i32
      %dma_start3A_542 = tpu.memref_slice %arg6[%add3A_536, %dma_start3A_540, %dma_start3A_541] : memref<4096x50x256xf32, #tpu.memory_space<hbm>> -> memref<1x50x128xf32, #tpu.memory_space<hbm>>
      %dma_start3A_543 = tpu.memref_squeeze %dma_start3A_542 : memref<1x50x128xf32, #tpu.memory_space<hbm>> -> memref<50x128xf32, #tpu.memory_space<hbm>>
      %dma_start3A_544 = arith.constant 0 : i32
      %dma_start3A_545 = arith.constant 128 : i32
      %dma_start3A_546 = tpu.memref_slice %arg6[%add3A_536, %dma_start3A_544, %dma_start3A_545] : memref<4096x50x256xf32, #tpu.memory_space<hbm>> -> memref<1x50x128xf32, #tpu.memory_space<hbm>>
      %dma_start3A_547 = tpu.memref_squeeze %dma_start3A_546 : memref<1x50x128xf32, #tpu.memory_space<hbm>> -> memref<50x128xf32, #tpu.memory_space<hbm>>
      %dma_start3A_548 = arith.constant 0 : i32
      %dma_start3A_549 = arith.constant 0 : i32
      %dma_start3A_550 = tpu.memref_slice %arg14[%dma_start3A_548, %dma_start3A_549] : memref<50x128xf32, #tpu.memory_space<vmem>> -> memref<50x128xf32, #tpu.memory_space<vmem>>
      tpu.enqueue_dma source(%dma_start3A_550 : memref<50x128xf32, #tpu.memory_space<vmem>>) target(%dma_start3A_547 : memref<50x128xf32, #tpu.memory_space<hbm>>) target_semaphore(%arg22 : memref<!tpu.dma_semaphore, #tpu.memory_space<semaphore_mem>>)
      %dma_wait3A_551 = arith.constant 0 : i32
      %dma_wait3A_552 = arith.constant 0 : i32
      %dma_wait3A_553 = arith.constant 0 : i32
      %dma_wait3A_554 = tpu.memref_slice %arg13[%dma_wait3A_552, %dma_wait3A_553] : memref<50x128xf32, #tpu.memory_space<vmem>> -> memref<50x128xf32, #tpu.memory_space<vmem>>
      %dma_wait3A_555 = arith.constant 0 : i32
      %dma_wait3A_556 = arith.constant 0 : i32
      %dma_wait3A_557 = tpu.memref_slice %arg6[%dma_wait3A_551, %dma_wait3A_555, %dma_wait3A_556] : memref<4096x50x256xf32, #tpu.memory_space<hbm>> -> memref<1x50x128xf32, #tpu.memory_space<hbm>>
      %dma_wait3A_558 = tpu.memref_squeeze %dma_wait3A_557 : memref<1x50x128xf32, #tpu.memory_space<hbm>> -> memref<50x128xf32, #tpu.memory_space<hbm>>
      %dma_wait3A_559 = arith.constant 0 : i32
      %dma_wait3A_560 = arith.constant 0 : i32
      %dma_wait3A_561 = tpu.memref_slice %arg6[%dma_wait3A_551, %dma_wait3A_559, %dma_wait3A_560] : memref<4096x50x256xf32, #tpu.memory_space<hbm>> -> memref<1x50x128xf32, #tpu.memory_space<hbm>>
      %dma_wait3A_562 = tpu.memref_squeeze %dma_wait3A_561 : memref<1x50x128xf32, #tpu.memory_space<hbm>> -> memref<50x128xf32, #tpu.memory_space<hbm>>
      %dma_wait3A_563 = arith.constant 0 : i32
      %dma_wait3A_564 = arith.constant 0 : i32
      %dma_wait3A_565 = tpu.memref_slice %arg13[%dma_wait3A_563, %dma_wait3A_564] : memref<50x128xf32, #tpu.memory_space<vmem>> -> memref<50x128xf32, #tpu.memory_space<vmem>>
      tpu.wait_dma2 semaphore(%arg22 : memref<!tpu.dma_semaphore, #tpu.memory_space<semaphore_mem>>) src(%dma_wait3A_565 : memref<50x128xf32, #tpu.memory_space<vmem>>) dst(%dma_wait3A_562 : memref<50x128xf32, #tpu.memory_space<hbm>>)
      %dma_wait3A_566 = arith.constant 0 : i32
      %dma_wait3A_567 = arith.constant 0 : i32
      %dma_wait3A_568 = arith.constant 0 : i32
      %dma_wait3A_569 = tpu.memref_slice %arg14[%dma_wait3A_567, %dma_wait3A_568] : memref<50x128xf32, #tpu.memory_space<vmem>> -> memref<50x128xf32, #tpu.memory_space<vmem>>
      %dma_wait3A_570 = arith.constant 0 : i32
      %dma_wait3A_571 = arith.constant 128 : i32
      %dma_wait3A_572 = tpu.memref_slice %arg6[%dma_wait3A_566, %dma_wait3A_570, %dma_wait3A_571] : memref<4096x50x256xf32, #tpu.memory_space<hbm>> -> memref<1x50x128xf32, #tpu.memory_space<hbm>>
      %dma_wait3A_573 = tpu.memref_squeeze %dma_wait3A_572 : memref<1x50x128xf32, #tpu.memory_space<hbm>> -> memref<50x128xf32, #tpu.memory_space<hbm>>
      %dma_wait3A_574 = arith.constant 0 : i32
      %dma_wait3A_575 = arith.constant 128 : i32
      %dma_wait3A_576 = tpu.memref_slice %arg6[%dma_wait3A_566, %dma_wait3A_574, %dma_wait3A_575] : memref<4096x50x256xf32, #tpu.memory_space<hbm>> -> memref<1x50x128xf32, #tpu.memory_space<hbm>>
      %dma_wait3A_577 = tpu.memref_squeeze %dma_wait3A_576 : memref<1x50x128xf32, #tpu.memory_space<hbm>> -> memref<50x128xf32, #tpu.memory_space<hbm>>
      %dma_wait3A_578 = arith.constant 0 : i32
      %dma_wait3A_579 = arith.constant 0 : i32
      %dma_wait3A_580 = tpu.memref_slice %arg14[%dma_wait3A_578, %dma_wait3A_579] : memref<50x128xf32, #tpu.memory_space<vmem>> -> memref<50x128xf32, #tpu.memory_space<vmem>>
      tpu.wait_dma2 semaphore(%arg22 : memref<!tpu.dma_semaphore, #tpu.memory_space<semaphore_mem>>) src(%dma_wait3A_580 : memref<50x128xf32, #tpu.memory_space<vmem>>) dst(%dma_wait3A_577 : memref<50x128xf32, #tpu.memory_space<hbm>>)
      %add3A_581 = arith.constant 4 : i32
      %add3A_582 = arith.addi %add3A_499, %add3A_581 : i32
      %dma_start3A_583 = arith.constant 0 : i32
      %dma_start3A_584 = tpu.memref_slice %arg9[%add3A_582, %dma_start3A_583] : memref<128x50xi32, #tpu.memory_space<vmem>> -> memref<1x50xi32, #tpu.memory_space<vmem>>
      %dma_start3A_585 = tpu.memref_squeeze %dma_start3A_584 : memref<1x50xi32, #tpu.memory_space<vmem>> -> memref<50xi32, #tpu.memory_space<vmem>>
      %dma_start3A_586 = arith.constant 0 : i32
      %dma_start3A_587 = arith.constant 0 : i32
      %dma_start3A_588 = tpu.memref_slice %arg7[%dma_start3A_586, %dma_start3A_587] : memref<2000x128xf32, #tpu.memory_space<vmem_shared>> -> memref<2000x128xf32, #tpu.memory_space<vmem_shared>>
      tpu.enqueue_indirect_dma source(%dma_start3A_588 : memref<2000x128xf32, #tpu.memory_space<vmem_shared>>) target(%arg13 : memref<50x128xf32, #tpu.memory_space<vmem>>) offsets(%dma_start3A_585 : memref<50xi32, #tpu.memory_space<vmem>>) semaphore(%arg21 : memref<!tpu.dma_semaphore, #tpu.memory_space<semaphore_mem>>)
      %dma_start3A_589 = arith.constant 0 : i32
      %dma_start3A_590 = tpu.memref_slice %arg10[%add3A_582, %dma_start3A_589] : memref<128x50xi32, #tpu.memory_space<vmem>> -> memref<1x50xi32, #tpu.memory_space<vmem>>
      %dma_start3A_591 = tpu.memref_squeeze %dma_start3A_590 : memref<1x50xi32, #tpu.memory_space<vmem>> -> memref<50xi32, #tpu.memory_space<vmem>>
      %dma_start3A_592 = arith.constant 0 : i32
      %dma_start3A_593 = arith.constant 0 : i32
      %dma_start3A_594 = tpu.memref_slice %arg8[%dma_start3A_592, %dma_start3A_593] : memref<2000x128xf32, #tpu.memory_space<vmem_shared>> -> memref<2000x128xf32, #tpu.memory_space<vmem_shared>>
      tpu.enqueue_indirect_dma source(%dma_start3A_594 : memref<2000x128xf32, #tpu.memory_space<vmem_shared>>) target(%arg14 : memref<50x128xf32, #tpu.memory_space<vmem>>) offsets(%dma_start3A_591 : memref<50xi32, #tpu.memory_space<vmem>>) semaphore(%arg21 : memref<!tpu.dma_semaphore, #tpu.memory_space<semaphore_mem>>)
      %add3A_595 = arith.constant 2 : i32
      %add3A_596 = arith.addi %mul3A_400, %add3A_595 : i32
      %dma_wait3A_597 = arith.constant 0 : i32
      %dma_wait3A_598 = arith.constant 0 : i32
      %dma_wait3A_599 = arith.constant 0 : i32
      %dma_wait3A_600 = tpu.memref_slice %arg6[%dma_wait3A_597, %dma_wait3A_598, %dma_wait3A_599] : memref<4096x50x256xf32, #tpu.memory_space<hbm>> -> memref<1x50x128xf32, #tpu.memory_space<hbm>>
      %dma_wait3A_601 = arith.constant 0 : i32
      %dma_wait3A_602 = arith.constant 0 : i32
      %dma_wait3A_603 = arith.constant 0 : i32
      %dma_wait3A_604 = tpu.memref_slice %arg6[%dma_wait3A_601, %dma_wait3A_602, %dma_wait3A_603] : memref<4096x50x256xf32, #tpu.memory_space<hbm>> -> memref<1x50x128xf32, #tpu.memory_space<hbm>>
      tpu.wait_dma2 semaphore(%arg23 : memref<!tpu.dma_semaphore, #tpu.memory_space<semaphore_mem>>) src(%arg15 : memref<50x128xf32, #tpu.memory_space<vmem>>) dst(%dma_wait3A_604 : memref<1x50x128xf32, #tpu.memory_space<hbm>>)
      %dma_wait3A_605 = arith.constant 0 : i32
      %dma_wait3A_606 = arith.constant 0 : i32
      %dma_wait3A_607 = arith.constant 128 : i32
      %dma_wait3A_608 = tpu.memref_slice %arg6[%dma_wait3A_605, %dma_wait3A_606, %dma_wait3A_607] : memref<4096x50x256xf32, #tpu.memory_space<hbm>> -> memref<1x50x128xf32, #tpu.memory_space<hbm>>
      %dma_wait3A_609 = arith.constant 0 : i32
      %dma_wait3A_610 = arith.constant 0 : i32
      %dma_wait3A_611 = arith.constant 128 : i32
      %dma_wait3A_612 = tpu.memref_slice %arg6[%dma_wait3A_609, %dma_wait3A_610, %dma_wait3A_611] : memref<4096x50x256xf32, #tpu.memory_space<hbm>> -> memref<1x50x128xf32, #tpu.memory_space<hbm>>
      tpu.wait_dma2 semaphore(%arg23 : memref<!tpu.dma_semaphore, #tpu.memory_space<semaphore_mem>>) src(%arg16 : memref<50x128xf32, #tpu.memory_space<vmem>>) dst(%dma_wait3A_612 : memref<1x50x128xf32, #tpu.memory_space<hbm>>)
      %add3A_613 = arith.addi %mul3A_2, %add3A_596 : i32
      %mul3A_614 = arith.constant 1 : i32
      %mul3A_615 = arith.muli %add3A_613, %mul3A_614 : i32
      %add3A_616 = arith.constant 0 : i32
      %add3A_617 = arith.addi %mul3A_615, %add3A_616 : i32
      %dma_start3A_618 = arith.constant 0 : i32
      %dma_start3A_619 = arith.constant 0 : i32
      %dma_start3A_620 = tpu.memref_slice %arg15[%dma_start3A_618, %dma_start3A_619] : memref<50x128xf32, #tpu.memory_space<vmem>> -> memref<50x128xf32, #tpu.memory_space<vmem>>
      %dma_start3A_621 = arith.constant 0 : i32
      %dma_start3A_622 = arith.constant 0 : i32
      %dma_start3A_623 = tpu.memref_slice %arg6[%add3A_617, %dma_start3A_621, %dma_start3A_622] : memref<4096x50x256xf32, #tpu.memory_space<hbm>> -> memref<1x50x128xf32, #tpu.memory_space<hbm>>
      %dma_start3A_624 = tpu.memref_squeeze %dma_start3A_623 : memref<1x50x128xf32, #tpu.memory_space<hbm>> -> memref<50x128xf32, #tpu.memory_space<hbm>>
      %dma_start3A_625 = arith.constant 0 : i32
      %dma_start3A_626 = arith.constant 0 : i32
      %dma_start3A_627 = tpu.memref_slice %arg6[%add3A_617, %dma_start3A_625, %dma_start3A_626] : memref<4096x50x256xf32, #tpu.memory_space<hbm>> -> memref<1x50x128xf32, #tpu.memory_space<hbm>>
      %dma_start3A_628 = tpu.memref_squeeze %dma_start3A_627 : memref<1x50x128xf32, #tpu.memory_space<hbm>> -> memref<50x128xf32, #tpu.memory_space<hbm>>
      %dma_start3A_629 = arith.constant 0 : i32
      %dma_start3A_630 = arith.constant 0 : i32
      %dma_start3A_631 = tpu.memref_slice %arg15[%dma_start3A_629, %dma_start3A_630] : memref<50x128xf32, #tpu.memory_space<vmem>> -> memref<50x128xf32, #tpu.memory_space<vmem>>
      tpu.enqueue_dma source(%dma_start3A_631 : memref<50x128xf32, #tpu.memory_space<vmem>>) target(%dma_start3A_628 : memref<50x128xf32, #tpu.memory_space<hbm>>) target_semaphore(%arg24 : memref<!tpu.dma_semaphore, #tpu.memory_space<semaphore_mem>>)
      %add3A_632 = arith.constant 0 : i32
      %add3A_633 = arith.addi %mul3A_615, %add3A_632 : i32
      %dma_start3A_634 = arith.constant 0 : i32
      %dma_start3A_635 = arith.constant 0 : i32
      %dma_start3A_636 = tpu.memref_slice %arg16[%dma_start3A_634, %dma_start3A_635] : memref<50x128xf32, #tpu.memory_space<vmem>> -> memref<50x128xf32, #tpu.memory_space<vmem>>
      %dma_start3A_637 = arith.constant 0 : i32
      %dma_start3A_638 = arith.constant 128 : i32
      %dma_start3A_639 = tpu.memref_slice %arg6[%add3A_633, %dma_start3A_637, %dma_start3A_638] : memref<4096x50x256xf32, #tpu.memory_space<hbm>> -> memref<1x50x128xf32, #tpu.memory_space<hbm>>
      %dma_start3A_640 = tpu.memref_squeeze %dma_start3A_639 : memref<1x50x128xf32, #tpu.memory_space<hbm>> -> memref<50x128xf32, #tpu.memory_space<hbm>>
      %dma_start3A_641 = arith.constant 0 : i32
      %dma_start3A_642 = arith.constant 128 : i32
      %dma_start3A_643 = tpu.memref_slice %arg6[%add3A_633, %dma_start3A_641, %dma_start3A_642] : memref<4096x50x256xf32, #tpu.memory_space<hbm>> -> memref<1x50x128xf32, #tpu.memory_space<hbm>>
      %dma_start3A_644 = tpu.memref_squeeze %dma_start3A_643 : memref<1x50x128xf32, #tpu.memory_space<hbm>> -> memref<50x128xf32, #tpu.memory_space<hbm>>
      %dma_start3A_645 = arith.constant 0 : i32
      %dma_start3A_646 = arith.constant 0 : i32
      %dma_start3A_647 = tpu.memref_slice %arg16[%dma_start3A_645, %dma_start3A_646] : memref<50x128xf32, #tpu.memory_space<vmem>> -> memref<50x128xf32, #tpu.memory_space<vmem>>
      tpu.enqueue_dma source(%dma_start3A_647 : memref<50x128xf32, #tpu.memory_space<vmem>>) target(%dma_start3A_644 : memref<50x128xf32, #tpu.memory_space<hbm>>) target_semaphore(%arg24 : memref<!tpu.dma_semaphore, #tpu.memory_space<semaphore_mem>>)
      %dma_wait3A_648 = arith.constant 0 : i32
      %dma_wait3A_649 = arith.constant 0 : i32
      %dma_wait3A_650 = arith.constant 0 : i32
      %dma_wait3A_651 = tpu.memref_slice %arg15[%dma_wait3A_649, %dma_wait3A_650] : memref<50x128xf32, #tpu.memory_space<vmem>> -> memref<50x128xf32, #tpu.memory_space<vmem>>
      %dma_wait3A_652 = arith.constant 0 : i32
      %dma_wait3A_653 = arith.constant 0 : i32
      %dma_wait3A_654 = tpu.memref_slice %arg6[%dma_wait3A_648, %dma_wait3A_652, %dma_wait3A_653] : memref<4096x50x256xf32, #tpu.memory_space<hbm>> -> memref<1x50x128xf32, #tpu.memory_space<hbm>>
      %dma_wait3A_655 = tpu.memref_squeeze %dma_wait3A_654 : memref<1x50x128xf32, #tpu.memory_space<hbm>> -> memref<50x128xf32, #tpu.memory_space<hbm>>
      %dma_wait3A_656 = arith.constant 0 : i32
      %dma_wait3A_657 = arith.constant 0 : i32
      %dma_wait3A_658 = tpu.memref_slice %arg6[%dma_wait3A_648, %dma_wait3A_656, %dma_wait3A_657] : memref<4096x50x256xf32, #tpu.memory_space<hbm>> -> memref<1x50x128xf32, #tpu.memory_space<hbm>>
      %dma_wait3A_659 = tpu.memref_squeeze %dma_wait3A_658 : memref<1x50x128xf32, #tpu.memory_space<hbm>> -> memref<50x128xf32, #tpu.memory_space<hbm>>
      %dma_wait3A_660 = arith.constant 0 : i32
      %dma_wait3A_661 = arith.constant 0 : i32
      %dma_wait3A_662 = tpu.memref_slice %arg15[%dma_wait3A_660, %dma_wait3A_661] : memref<50x128xf32, #tpu.memory_space<vmem>> -> memref<50x128xf32, #tpu.memory_space<vmem>>
      tpu.wait_dma2 semaphore(%arg24 : memref<!tpu.dma_semaphore, #tpu.memory_space<semaphore_mem>>) src(%dma_wait3A_662 : memref<50x128xf32, #tpu.memory_space<vmem>>) dst(%dma_wait3A_659 : memref<50x128xf32, #tpu.memory_space<hbm>>)
      %dma_wait3A_663 = arith.constant 0 : i32
      %dma_wait3A_664 = arith.constant 0 : i32
      %dma_wait3A_665 = arith.constant 0 : i32
      %dma_wait3A_666 = tpu.memref_slice %arg16[%dma_wait3A_664, %dma_wait3A_665] : memref<50x128xf32, #tpu.memory_space<vmem>> -> memref<50x128xf32, #tpu.memory_space<vmem>>
      %dma_wait3A_667 = arith.constant 0 : i32
      %dma_wait3A_668 = arith.constant 128 : i32
      %dma_wait3A_669 = tpu.memref_slice %arg6[%dma_wait3A_663, %dma_wait3A_667, %dma_wait3A_668] : memref<4096x50x256xf32, #tpu.memory_space<hbm>> -> memref<1x50x128xf32, #tpu.memory_space<hbm>>
      %dma_wait3A_670 = tpu.memref_squeeze %dma_wait3A_669 : memref<1x50x128xf32, #tpu.memory_space<hbm>> -> memref<50x128xf32, #tpu.memory_space<hbm>>
      %dma_wait3A_671 = arith.constant 0 : i32
      %dma_wait3A_672 = arith.constant 128 : i32
      %dma_wait3A_673 = tpu.memref_slice %arg6[%dma_wait3A_663, %dma_wait3A_671, %dma_wait3A_672] : memref<4096x50x256xf32, #tpu.memory_space<hbm>> -> memref<1x50x128xf32, #tpu.memory_space<hbm>>
      %dma_wait3A_674 = tpu.memref_squeeze %dma_wait3A_673 : memref<1x50x128xf32, #tpu.memory_space<hbm>> -> memref<50x128xf32, #tpu.memory_space<hbm>>
      %dma_wait3A_675 = arith.constant 0 : i32
      %dma_wait3A_676 = arith.constant 0 : i32
      %dma_wait3A_677 = tpu.memref_slice %arg16[%dma_wait3A_675, %dma_wait3A_676] : memref<50x128xf32, #tpu.memory_space<vmem>> -> memref<50x128xf32, #tpu.memory_space<vmem>>
      tpu.wait_dma2 semaphore(%arg24 : memref<!tpu.dma_semaphore, #tpu.memory_space<semaphore_mem>>) src(%dma_wait3A_677 : memref<50x128xf32, #tpu.memory_space<vmem>>) dst(%dma_wait3A_674 : memref<50x128xf32, #tpu.memory_space<hbm>>)
      %add3A_678 = arith.constant 4 : i32
      %add3A_679 = arith.addi %add3A_596, %add3A_678 : i32
      %dma_start3A_680 = arith.constant 0 : i32
      %dma_start3A_681 = tpu.memref_slice %arg9[%add3A_679, %dma_start3A_680] : memref<128x50xi32, #tpu.memory_space<vmem>> -> memref<1x50xi32, #tpu.memory_space<vmem>>
      %dma_start3A_682 = tpu.memref_squeeze %dma_start3A_681 : memref<1x50xi32, #tpu.memory_space<vmem>> -> memref<50xi32, #tpu.memory_space<vmem>>
      %dma_start3A_683 = arith.constant 0 : i32
      %dma_start3A_684 = arith.constant 0 : i32
      %dma_start3A_685 = tpu.memref_slice %arg7[%dma_start3A_683, %dma_start3A_684] : memref<2000x128xf32, #tpu.memory_space<vmem_shared>> -> memref<2000x128xf32, #tpu.memory_space<vmem_shared>>
      tpu.enqueue_indirect_dma source(%dma_start3A_685 : memref<2000x128xf32, #tpu.memory_space<vmem_shared>>) target(%arg15 : memref<50x128xf32, #tpu.memory_space<vmem>>) offsets(%dma_start3A_682 : memref<50xi32, #tpu.memory_space<vmem>>) semaphore(%arg23 : memref<!tpu.dma_semaphore, #tpu.memory_space<semaphore_mem>>)
      %dma_start3A_686 = arith.constant 0 : i32
      %dma_start3A_687 = tpu.memref_slice %arg10[%add3A_679, %dma_start3A_686] : memref<128x50xi32, #tpu.memory_space<vmem>> -> memref<1x50xi32, #tpu.memory_space<vmem>>
      %dma_start3A_688 = tpu.memref_squeeze %dma_start3A_687 : memref<1x50xi32, #tpu.memory_space<vmem>> -> memref<50xi32, #tpu.memory_space<vmem>>
      %dma_start3A_689 = arith.constant 0 : i32
      %dma_start3A_690 = arith.constant 0 : i32
      %dma_start3A_691 = tpu.memref_slice %arg8[%dma_start3A_689, %dma_start3A_690] : memref<2000x128xf32, #tpu.memory_space<vmem_shared>> -> memref<2000x128xf32, #tpu.memory_space<vmem_shared>>
      tpu.enqueue_indirect_dma source(%dma_start3A_691 : memref<2000x128xf32, #tpu.memory_space<vmem_shared>>) target(%arg16 : memref<50x128xf32, #tpu.memory_space<vmem>>) offsets(%dma_start3A_688 : memref<50xi32, #tpu.memory_space<vmem>>) semaphore(%arg23 : memref<!tpu.dma_semaphore, #tpu.memory_space<semaphore_mem>>)
      %add3A_692 = arith.constant 3 : i32
      %add3A_693 = arith.addi %mul3A_400, %add3A_692 : i32
      %dma_wait3A_694 = arith.constant 0 : i32
      %dma_wait3A_695 = arith.constant 0 : i32
      %dma_wait3A_696 = arith.constant 0 : i32
      %dma_wait3A_697 = tpu.memref_slice %arg6[%dma_wait3A_694, %dma_wait3A_695, %dma_wait3A_696] : memref<4096x50x256xf32, #tpu.memory_space<hbm>> -> memref<1x50x128xf32, #tpu.memory_space<hbm>>
      %dma_wait3A_698 = arith.constant 0 : i32
      %dma_wait3A_699 = arith.constant 0 : i32
      %dma_wait3A_700 = arith.constant 0 : i32
      %dma_wait3A_701 = tpu.memref_slice %arg6[%dma_wait3A_698, %dma_wait3A_699, %dma_wait3A_700] : memref<4096x50x256xf32, #tpu.memory_space<hbm>> -> memref<1x50x128xf32, #tpu.memory_space<hbm>>
      tpu.wait_dma2 semaphore(%arg25 : memref<!tpu.dma_semaphore, #tpu.memory_space<semaphore_mem>>) src(%arg17 : memref<50x128xf32, #tpu.memory_space<vmem>>) dst(%dma_wait3A_701 : memref<1x50x128xf32, #tpu.memory_space<hbm>>)
      %dma_wait3A_702 = arith.constant 0 : i32
      %dma_wait3A_703 = arith.constant 0 : i32
      %dma_wait3A_704 = arith.constant 128 : i32
      %dma_wait3A_705 = tpu.memref_slice %arg6[%dma_wait3A_702, %dma_wait3A_703, %dma_wait3A_704] : memref<4096x50x256xf32, #tpu.memory_space<hbm>> -> memref<1x50x128xf32, #tpu.memory_space<hbm>>
      %dma_wait3A_706 = arith.constant 0 : i32
      %dma_wait3A_707 = arith.constant 0 : i32
      %dma_wait3A_708 = arith.constant 128 : i32
      %dma_wait3A_709 = tpu.memref_slice %arg6[%dma_wait3A_706, %dma_wait3A_707, %dma_wait3A_708] : memref<4096x50x256xf32, #tpu.memory_space<hbm>> -> memref<1x50x128xf32, #tpu.memory_space<hbm>>
      tpu.wait_dma2 semaphore(%arg25 : memref<!tpu.dma_semaphore, #tpu.memory_space<semaphore_mem>>) src(%arg18 : memref<50x128xf32, #tpu.memory_space<vmem>>) dst(%dma_wait3A_709 : memref<1x50x128xf32, #tpu.memory_space<hbm>>)
      %add3A_710 = arith.addi %mul3A_2, %add3A_693 : i32
      %mul3A_711 = arith.constant 1 : i32
      %mul3A_712 = arith.muli %add3A_710, %mul3A_711 : i32
      %add3A_713 = arith.constant 0 : i32
      %add3A_714 = arith.addi %mul3A_712, %add3A_713 : i32
      %dma_start3A_715 = arith.constant 0 : i32
      %dma_start3A_716 = arith.constant 0 : i32
      %dma_start3A_717 = tpu.memref_slice %arg17[%dma_start3A_715, %dma_start3A_716] : memref<50x128xf32, #tpu.memory_space<vmem>> -> memref<50x128xf32, #tpu.memory_space<vmem>>
      %dma_start3A_718 = arith.constant 0 : i32
      %dma_start3A_719 = arith.constant 0 : i32
      %dma_start3A_720 = tpu.memref_slice %arg6[%add3A_714, %dma_start3A_718, %dma_start3A_719] : memref<4096x50x256xf32, #tpu.memory_space<hbm>> -> memref<1x50x128xf32, #tpu.memory_space<hbm>>
      %dma_start3A_721 = tpu.memref_squeeze %dma_start3A_720 : memref<1x50x128xf32, #tpu.memory_space<hbm>> -> memref<50x128xf32, #tpu.memory_space<hbm>>
      %dma_start3A_722 = arith.constant 0 : i32
      %dma_start3A_723 = arith.constant 0 : i32
      %dma_start3A_724 = tpu.memref_slice %arg6[%add3A_714, %dma_start3A_722, %dma_start3A_723] : memref<4096x50x256xf32, #tpu.memory_space<hbm>> -> memref<1x50x128xf32, #tpu.memory_space<hbm>>
      %dma_start3A_725 = tpu.memref_squeeze %dma_start3A_724 : memref<1x50x128xf32, #tpu.memory_space<hbm>> -> memref<50x128xf32, #tpu.memory_space<hbm>>
      %dma_start3A_726 = arith.constant 0 : i32
      %dma_start3A_727 = arith.constant 0 : i32
      %dma_start3A_728 = tpu.memref_slice %arg17[%dma_start3A_726, %dma_start3A_727] : memref<50x128xf32, #tpu.memory_space<vmem>> -> memref<50x128xf32, #tpu.memory_space<vmem>>
      tpu.enqueue_dma source(%dma_start3A_728 : memref<50x128xf32, #tpu.memory_space<vmem>>) target(%dma_start3A_725 : memref<50x128xf32, #tpu.memory_space<hbm>>) target_semaphore(%arg26 : memref<!tpu.dma_semaphore, #tpu.memory_space<semaphore_mem>>)
      %add3A_729 = arith.constant 0 : i32
      %add3A_730 = arith.addi %mul3A_712, %add3A_729 : i32
      %dma_start3A_731 = arith.constant 0 : i32
      %dma_start3A_732 = arith.constant 0 : i32
      %dma_start3A_733 = tpu.memref_slice %arg18[%dma_start3A_731, %dma_start3A_732] : memref<50x128xf32, #tpu.memory_space<vmem>> -> memref<50x128xf32, #tpu.memory_space<vmem>>
      %dma_start3A_734 = arith.constant 0 : i32
      %dma_start3A_735 = arith.constant 128 : i32
      %dma_start3A_736 = tpu.memref_slice %arg6[%add3A_730, %dma_start3A_734, %dma_start3A_735] : memref<4096x50x256xf32, #tpu.memory_space<hbm>> -> memref<1x50x128xf32, #tpu.memory_space<hbm>>
      %dma_start3A_737 = tpu.memref_squeeze %dma_start3A_736 : memref<1x50x128xf32, #tpu.memory_space<hbm>> -> memref<50x128xf32, #tpu.memory_space<hbm>>
      %dma_start3A_738 = arith.constant 0 : i32
      %dma_start3A_739 = arith.constant 128 : i32
      %dma_start3A_740 = tpu.memref_slice %arg6[%add3A_730, %dma_start3A_738, %dma_start3A_739] : memref<4096x50x256xf32, #tpu.memory_space<hbm>> -> memref<1x50x128xf32, #tpu.memory_space<hbm>>
      %dma_start3A_741 = tpu.memref_squeeze %dma_start3A_740 : memref<1x50x128xf32, #tpu.memory_space<hbm>> -> memref<50x128xf32, #tpu.memory_space<hbm>>
      %dma_start3A_742 = arith.constant 0 : i32
      %dma_start3A_743 = arith.constant 0 : i32
      %dma_start3A_744 = tpu.memref_slice %arg18[%dma_start3A_742, %dma_start3A_743] : memref<50x128xf32, #tpu.memory_space<vmem>> -> memref<50x128xf32, #tpu.memory_space<vmem>>
      tpu.enqueue_dma source(%dma_start3A_744 : memref<50x128xf32, #tpu.memory_space<vmem>>) target(%dma_start3A_741 : memref<50x128xf32, #tpu.memory_space<hbm>>) target_semaphore(%arg26 : memref<!tpu.dma_semaphore, #tpu.memory_space<semaphore_mem>>)
      %dma_wait3A_745 = arith.constant 0 : i32
      %dma_wait3A_746 = arith.constant 0 : i32
      %dma_wait3A_747 = arith.constant 0 : i32
      %dma_wait3A_748 = tpu.memref_slice %arg17[%dma_wait3A_746, %dma_wait3A_747] : memref<50x128xf32, #tpu.memory_space<vmem>> -> memref<50x128xf32, #tpu.memory_space<vmem>>
      %dma_wait3A_749 = arith.constant 0 : i32
      %dma_wait3A_750 = arith.constant 0 : i32
      %dma_wait3A_751 = tpu.memref_slice %arg6[%dma_wait3A_745, %dma_wait3A_749, %dma_wait3A_750] : memref<4096x50x256xf32, #tpu.memory_space<hbm>> -> memref<1x50x128xf32, #tpu.memory_space<hbm>>
      %dma_wait3A_752 = tpu.memref_squeeze %dma_wait3A_751 : memref<1x50x128xf32, #tpu.memory_space<hbm>> -> memref<50x128xf32, #tpu.memory_space<hbm>>
      %dma_wait3A_753 = arith.constant 0 : i32
      %dma_wait3A_754 = arith.constant 0 : i32
      %dma_wait3A_755 = tpu.memref_slice %arg6[%dma_wait3A_745, %dma_wait3A_753, %dma_wait3A_754] : memref<4096x50x256xf32, #tpu.memory_space<hbm>> -> memref<1x50x128xf32, #tpu.memory_space<hbm>>
      %dma_wait3A_756 = tpu.memref_squeeze %dma_wait3A_755 : memref<1x50x128xf32, #tpu.memory_space<hbm>> -> memref<50x128xf32, #tpu.memory_space<hbm>>
      %dma_wait3A_757 = arith.constant 0 : i32
      %dma_wait3A_758 = arith.constant 0 : i32
      %dma_wait3A_759 = tpu.memref_slice %arg17[%dma_wait3A_757, %dma_wait3A_758] : memref<50x128xf32, #tpu.memory_space<vmem>> -> memref<50x128xf32, #tpu.memory_space<vmem>>
      tpu.wait_dma2 semaphore(%arg26 : memref<!tpu.dma_semaphore, #tpu.memory_space<semaphore_mem>>) src(%dma_wait3A_759 : memref<50x128xf32, #tpu.memory_space<vmem>>) dst(%dma_wait3A_756 : memref<50x128xf32, #tpu.memory_space<hbm>>)
      %dma_wait3A_760 = arith.constant 0 : i32
      %dma_wait3A_761 = arith.constant 0 : i32
      %dma_wait3A_762 = arith.constant 0 : i32
      %dma_wait3A_763 = tpu.memref_slice %arg18[%dma_wait3A_761, %dma_wait3A_762] : memref<50x128xf32, #tpu.memory_space<vmem>> -> memref<50x128xf32, #tpu.memory_space<vmem>>
      %dma_wait3A_764 = arith.constant 0 : i32
      %dma_wait3A_765 = arith.constant 128 : i32
      %dma_wait3A_766 = tpu.memref_slice %arg6[%dma_wait3A_760, %dma_wait3A_764, %dma_wait3A_765] : memref<4096x50x256xf32, #tpu.memory_space<hbm>> -> memref<1x50x128xf32, #tpu.memory_space<hbm>>
      %dma_wait3A_767 = tpu.memref_squeeze %dma_wait3A_766 : memref<1x50x128xf32, #tpu.memory_space<hbm>> -> memref<50x128xf32, #tpu.memory_space<hbm>>
      %dma_wait3A_768 = arith.constant 0 : i32
      %dma_wait3A_769 = arith.constant 128 : i32
      %dma_wait3A_770 = tpu.memref_slice %arg6[%dma_wait3A_760, %dma_wait3A_768, %dma_wait3A_769] : memref<4096x50x256xf32, #tpu.memory_space<hbm>> -> memref<1x50x128xf32, #tpu.memory_space<hbm>>
      %dma_wait3A_771 = tpu.memref_squeeze %dma_wait3A_770 : memref<1x50x128xf32, #tpu.memory_space<hbm>> -> memref<50x128xf32, #tpu.memory_space<hbm>>
      %dma_wait3A_772 = arith.constant 0 : i32
      %dma_wait3A_773 = arith.constant 0 : i32
      %dma_wait3A_774 = tpu.memref_slice %arg18[%dma_wait3A_772, %dma_wait3A_773] : memref<50x128xf32, #tpu.memory_space<vmem>> -> memref<50x128xf32, #tpu.memory_space<vmem>>
      tpu.wait_dma2 semaphore(%arg26 : memref<!tpu.dma_semaphore, #tpu.memory_space<semaphore_mem>>) src(%dma_wait3A_774 : memref<50x128xf32, #tpu.memory_space<vmem>>) dst(%dma_wait3A_771 : memref<50x128xf32, #tpu.memory_space<hbm>>)
      %add3A_775 = arith.constant 4 : i32
      %add3A_776 = arith.addi %add3A_693, %add3A_775 : i32
      %dma_start3A_777 = arith.constant 0 : i32
      %dma_start3A_778 = tpu.memref_slice %arg9[%add3A_776, %dma_start3A_777] : memref<128x50xi32, #tpu.memory_space<vmem>> -> memref<1x50xi32, #tpu.memory_space<vmem>>
      %dma_start3A_779 = tpu.memref_squeeze %dma_start3A_778 : memref<1x50xi32, #tpu.memory_space<vmem>> -> memref<50xi32, #tpu.memory_space<vmem>>
      %dma_start3A_780 = arith.constant 0 : i32
      %dma_start3A_781 = arith.constant 0 : i32
      %dma_start3A_782 = tpu.memref_slice %arg7[%dma_start3A_780, %dma_start3A_781] : memref<2000x128xf32, #tpu.memory_space<vmem_shared>> -> memref<2000x128xf32, #tpu.memory_space<vmem_shared>>
      tpu.enqueue_indirect_dma source(%dma_start3A_782 : memref<2000x128xf32, #tpu.memory_space<vmem_shared>>) target(%arg17 : memref<50x128xf32, #tpu.memory_space<vmem>>) offsets(%dma_start3A_779 : memref<50xi32, #tpu.memory_space<vmem>>) semaphore(%arg25 : memref<!tpu.dma_semaphore, #tpu.memory_space<semaphore_mem>>)
      %dma_start3A_783 = arith.constant 0 : i32
      %dma_start3A_784 = tpu.memref_slice %arg10[%add3A_776, %dma_start3A_783] : memref<128x50xi32, #tpu.memory_space<vmem>> -> memref<1x50xi32, #tpu.memory_space<vmem>>
      %dma_start3A_785 = tpu.memref_squeeze %dma_start3A_784 : memref<1x50xi32, #tpu.memory_space<vmem>> -> memref<50xi32, #tpu.memory_space<vmem>>
      %dma_start3A_786 = arith.constant 0 : i32
      %dma_start3A_787 = arith.constant 0 : i32
      %dma_start3A_788 = tpu.memref_slice %arg8[%dma_start3A_786, %dma_start3A_787] : memref<2000x128xf32, #tpu.memory_space<vmem_shared>> -> memref<2000x128xf32, #tpu.memory_space<vmem_shared>>
      tpu.enqueue_indirect_dma source(%dma_start3A_788 : memref<2000x128xf32, #tpu.memory_space<vmem_shared>>) target(%arg18 : memref<50x128xf32, #tpu.memory_space<vmem>>) offsets(%dma_start3A_785 : memref<50xi32, #tpu.memory_space<vmem>>) semaphore(%arg25 : memref<!tpu.dma_semaphore, #tpu.memory_space<semaphore_mem>>)
    }
    %scan3A_70 = arith.constant 31 : i32
    %dma_wait3A = arith.constant 0 : i32
    %dma_wait3A_71 = arith.constant 0 : i32
    %dma_wait3A_72 = arith.constant 0 : i32
    %dma_wait3A_73 = tpu.memref_slice %arg6[%dma_wait3A, %dma_wait3A_71, %dma_wait3A_72] : memref<4096x50x256xf32, #tpu.memory_space<hbm>> -> memref<1x50x128xf32, #tpu.memory_space<hbm>>
    %dma_wait3A_74 = arith.constant 0 : i32
    %dma_wait3A_75 = arith.constant 0 : i32
    %dma_wait3A_76 = arith.constant 0 : i32
    %dma_wait3A_77 = tpu.memref_slice %arg6[%dma_wait3A_74, %dma_wait3A_75, %dma_wait3A_76] : memref<4096x50x256xf32, #tpu.memory_space<hbm>> -> memref<1x50x128xf32, #tpu.memory_space<hbm>>
    tpu.wait_dma2 semaphore(%arg19 : memref<!tpu.dma_semaphore, #tpu.memory_space<semaphore_mem>>) src(%arg11 : memref<50x128xf32, #tpu.memory_space<vmem>>) dst(%dma_wait3A_77 : memref<1x50x128xf32, #tpu.memory_space<hbm>>)
    %dma_wait3A_78 = arith.constant 0 : i32
    %dma_wait3A_79 = arith.constant 0 : i32
    %dma_wait3A_80 = arith.constant 128 : i32
    %dma_wait3A_81 = tpu.memref_slice %arg6[%dma_wait3A_78, %dma_wait3A_79, %dma_wait3A_80] : memref<4096x50x256xf32, #tpu.memory_space<hbm>> -> memref<1x50x128xf32, #tpu.memory_space<hbm>>
    %dma_wait3A_82 = arith.constant 0 : i32
    %dma_wait3A_83 = arith.constant 0 : i32
    %dma_wait3A_84 = arith.constant 128 : i32
    %dma_wait3A_85 = tpu.memref_slice %arg6[%dma_wait3A_82, %dma_wait3A_83, %dma_wait3A_84] : memref<4096x50x256xf32, #tpu.memory_space<hbm>> -> memref<1x50x128xf32, #tpu.memory_space<hbm>>
    tpu.wait_dma2 semaphore(%arg19 : memref<!tpu.dma_semaphore, #tpu.memory_space<semaphore_mem>>) src(%arg12 : memref<50x128xf32, #tpu.memory_space<vmem>>) dst(%dma_wait3A_85 : memref<1x50x128xf32, #tpu.memory_space<hbm>>)
    %add3A_86 = arith.constant 124 : i32
    %add3A_87 = arith.addi %mul3A_2, %add3A_86 : i32
    %mul3A_88 = arith.constant 1 : i32
    %mul3A_89 = arith.muli %add3A_87, %mul3A_88 : i32
    %add3A_90 = arith.constant 0 : i32
    %add3A_91 = arith.addi %mul3A_89, %add3A_90 : i32
    %dma_start3A_92 = arith.constant 0 : i32
    %dma_start3A_93 = arith.constant 0 : i32
    %dma_start3A_94 = tpu.memref_slice %arg11[%dma_start3A_92, %dma_start3A_93] : memref<50x128xf32, #tpu.memory_space<vmem>> -> memref<50x128xf32, #tpu.memory_space<vmem>>
    %dma_start3A_95 = arith.constant 0 : i32
    %dma_start3A_96 = arith.constant 0 : i32
    %dma_start3A_97 = tpu.memref_slice %arg6[%add3A_91, %dma_start3A_95, %dma_start3A_96] : memref<4096x50x256xf32, #tpu.memory_space<hbm>> -> memref<1x50x128xf32, #tpu.memory_space<hbm>>
    %dma_start3A_98 = tpu.memref_squeeze %dma_start3A_97 : memref<1x50x128xf32, #tpu.memory_space<hbm>> -> memref<50x128xf32, #tpu.memory_space<hbm>>
    %dma_start3A_99 = arith.constant 0 : i32
    %dma_start3A_100 = arith.constant 0 : i32
    %dma_start3A_101 = tpu.memref_slice %arg6[%add3A_91, %dma_start3A_99, %dma_start3A_100] : memref<4096x50x256xf32, #tpu.memory_space<hbm>> -> memref<1x50x128xf32, #tpu.memory_space<hbm>>
    %dma_start3A_102 = tpu.memref_squeeze %dma_start3A_101 : memref<1x50x128xf32, #tpu.memory_space<hbm>> -> memref<50x128xf32, #tpu.memory_space<hbm>>
    %dma_start3A_103 = arith.constant 0 : i32
    %dma_start3A_104 = arith.constant 0 : i32
    %dma_start3A_105 = tpu.memref_slice %arg11[%dma_start3A_103, %dma_start3A_104] : memref<50x128xf32, #tpu.memory_space<vmem>> -> memref<50x128xf32, #tpu.memory_space<vmem>>
    tpu.enqueue_dma source(%dma_start3A_105 : memref<50x128xf32, #tpu.memory_space<vmem>>) target(%dma_start3A_102 : memref<50x128xf32, #tpu.memory_space<hbm>>) target_semaphore(%arg20 : memref<!tpu.dma_semaphore, #tpu.memory_space<semaphore_mem>>)
    %add3A_106 = arith.constant 0 : i32
    %add3A_107 = arith.addi %mul3A_89, %add3A_106 : i32
    %dma_start3A_108 = arith.constant 0 : i32
    %dma_start3A_109 = arith.constant 0 : i32
    %dma_start3A_110 = tpu.memref_slice %arg12[%dma_start3A_108, %dma_start3A_109] : memref<50x128xf32, #tpu.memory_space<vmem>> -> memref<50x128xf32, #tpu.memory_space<vmem>>
    %dma_start3A_111 = arith.constant 0 : i32
    %dma_start3A_112 = arith.constant 128 : i32
    %dma_start3A_113 = tpu.memref_slice %arg6[%add3A_107, %dma_start3A_111, %dma_start3A_112] : memref<4096x50x256xf32, #tpu.memory_space<hbm>> -> memref<1x50x128xf32, #tpu.memory_space<hbm>>
    %dma_start3A_114 = tpu.memref_squeeze %dma_start3A_113 : memref<1x50x128xf32, #tpu.memory_space<hbm>> -> memref<50x128xf32, #tpu.memory_space<hbm>>
    %dma_start3A_115 = arith.constant 0 : i32
    %dma_start3A_116 = arith.constant 128 : i32
    %dma_start3A_117 = tpu.memref_slice %arg6[%add3A_107, %dma_start3A_115, %dma_start3A_116] : memref<4096x50x256xf32, #tpu.memory_space<hbm>> -> memref<1x50x128xf32, #tpu.memory_space<hbm>>
    %dma_start3A_118 = tpu.memref_squeeze %dma_start3A_117 : memref<1x50x128xf32, #tpu.memory_space<hbm>> -> memref<50x128xf32, #tpu.memory_space<hbm>>
    %dma_start3A_119 = arith.constant 0 : i32
    %dma_start3A_120 = arith.constant 0 : i32
    %dma_start3A_121 = tpu.memref_slice %arg12[%dma_start3A_119, %dma_start3A_120] : memref<50x128xf32, #tpu.memory_space<vmem>> -> memref<50x128xf32, #tpu.memory_space<vmem>>
    tpu.enqueue_dma source(%dma_start3A_121 : memref<50x128xf32, #tpu.memory_space<vmem>>) target(%dma_start3A_118 : memref<50x128xf32, #tpu.memory_space<hbm>>) target_semaphore(%arg20 : memref<!tpu.dma_semaphore, #tpu.memory_space<semaphore_mem>>)
    %dma_wait3A_122 = arith.constant 0 : i32
    %dma_wait3A_123 = arith.constant 0 : i32
    %dma_wait3A_124 = arith.constant 0 : i32
    %dma_wait3A_125 = tpu.memref_slice %arg11[%dma_wait3A_123, %dma_wait3A_124] : memref<50x128xf32, #tpu.memory_space<vmem>> -> memref<50x128xf32, #tpu.memory_space<vmem>>
    %dma_wait3A_126 = arith.constant 0 : i32
    %dma_wait3A_127 = arith.constant 0 : i32
    %dma_wait3A_128 = tpu.memref_slice %arg6[%dma_wait3A_122, %dma_wait3A_126, %dma_wait3A_127] : memref<4096x50x256xf32, #tpu.memory_space<hbm>> -> memref<1x50x128xf32, #tpu.memory_space<hbm>>
    %dma_wait3A_129 = tpu.memref_squeeze %dma_wait3A_128 : memref<1x50x128xf32, #tpu.memory_space<hbm>> -> memref<50x128xf32, #tpu.memory_space<hbm>>
    %dma_wait3A_130 = arith.constant 0 : i32
    %dma_wait3A_131 = arith.constant 0 : i32
    %dma_wait3A_132 = tpu.memref_slice %arg6[%dma_wait3A_122, %dma_wait3A_130, %dma_wait3A_131] : memref<4096x50x256xf32, #tpu.memory_space<hbm>> -> memref<1x50x128xf32, #tpu.memory_space<hbm>>
    %dma_wait3A_133 = tpu.memref_squeeze %dma_wait3A_132 : memref<1x50x128xf32, #tpu.memory_space<hbm>> -> memref<50x128xf32, #tpu.memory_space<hbm>>
    %dma_wait3A_134 = arith.constant 0 : i32
    %dma_wait3A_135 = arith.constant 0 : i32
    %dma_wait3A_136 = tpu.memref_slice %arg11[%dma_wait3A_134, %dma_wait3A_135] : memref<50x128xf32, #tpu.memory_space<vmem>> -> memref<50x128xf32, #tpu.memory_space<vmem>>
    tpu.wait_dma2 semaphore(%arg20 : memref<!tpu.dma_semaphore, #tpu.memory_space<semaphore_mem>>) src(%dma_wait3A_136 : memref<50x128xf32, #tpu.memory_space<vmem>>) dst(%dma_wait3A_133 : memref<50x128xf32, #tpu.memory_space<hbm>>)
    %dma_wait3A_137 = arith.constant 0 : i32
    %dma_wait3A_138 = arith.constant 0 : i32
    %dma_wait3A_139 = arith.constant 0 : i32
    %dma_wait3A_140 = tpu.memref_slice %arg12[%dma_wait3A_138, %dma_wait3A_139] : memref<50x128xf32, #tpu.memory_space<vmem>> -> memref<50x128xf32, #tpu.memory_space<vmem>>
    %dma_wait3A_141 = arith.constant 0 : i32
    %dma_wait3A_142 = arith.constant 128 : i32
    %dma_wait3A_143 = tpu.memref_slice %arg6[%dma_wait3A_137, %dma_wait3A_141, %dma_wait3A_142] : memref<4096x50x256xf32, #tpu.memory_space<hbm>> -> memref<1x50x128xf32, #tpu.memory_space<hbm>>
    %dma_wait3A_144 = tpu.memref_squeeze %dma_wait3A_143 : memref<1x50x128xf32, #tpu.memory_space<hbm>> -> memref<50x128xf32, #tpu.memory_space<hbm>>
    %dma_wait3A_145 = arith.constant 0 : i32
    %dma_wait3A_146 = arith.constant 128 : i32
    %dma_wait3A_147 = tpu.memref_slice %arg6[%dma_wait3A_137, %dma_wait3A_145, %dma_wait3A_146] : memref<4096x50x256xf32, #tpu.memory_space<hbm>> -> memref<1x50x128xf32, #tpu.memory_space<hbm>>
    %dma_wait3A_148 = tpu.memref_squeeze %dma_wait3A_147 : memref<1x50x128xf32, #tpu.memory_space<hbm>> -> memref<50x128xf32, #tpu.memory_space<hbm>>
    %dma_wait3A_149 = arith.constant 0 : i32
    %dma_wait3A_150 = arith.constant 0 : i32
    %dma_wait3A_151 = tpu.memref_slice %arg12[%dma_wait3A_149, %dma_wait3A_150] : memref<50x128xf32, #tpu.memory_space<vmem>> -> memref<50x128xf32, #tpu.memory_space<vmem>>
    tpu.wait_dma2 semaphore(%arg20 : memref<!tpu.dma_semaphore, #tpu.memory_space<semaphore_mem>>) src(%dma_wait3A_151 : memref<50x128xf32, #tpu.memory_space<vmem>>) dst(%dma_wait3A_148 : memref<50x128xf32, #tpu.memory_space<hbm>>)
    %dma_wait3A_152 = arith.constant 0 : i32
    %dma_wait3A_153 = arith.constant 0 : i32
    %dma_wait3A_154 = arith.constant 0 : i32
    %dma_wait3A_155 = tpu.memref_slice %arg6[%dma_wait3A_152, %dma_wait3A_153, %dma_wait3A_154] : memref<4096x50x256xf32, #tpu.memory_space<hbm>> -> memref<1x50x128xf32, #tpu.memory_space<hbm>>
    %dma_wait3A_156 = arith.constant 0 : i32
    %dma_wait3A_157 = arith.constant 0 : i32
    %dma_wait3A_158 = arith.constant 0 : i32
    %dma_wait3A_159 = tpu.memref_slice %arg6[%dma_wait3A_156, %dma_wait3A_157, %dma_wait3A_158] : memref<4096x50x256xf32, #tpu.memory_space<hbm>> -> memref<1x50x128xf32, #tpu.memory_space<hbm>>
    tpu.wait_dma2 semaphore(%arg21 : memref<!tpu.dma_semaphore, #tpu.memory_space<semaphore_mem>>) src(%arg13 : memref<50x128xf32, #tpu.memory_space<vmem>>) dst(%dma_wait3A_159 : memref<1x50x128xf32, #tpu.memory_space<hbm>>)
    %dma_wait3A_160 = arith.constant 0 : i32
    %dma_wait3A_161 = arith.constant 0 : i32
    %dma_wait3A_162 = arith.constant 128 : i32
    %dma_wait3A_163 = tpu.memref_slice %arg6[%dma_wait3A_160, %dma_wait3A_161, %dma_wait3A_162] : memref<4096x50x256xf32, #tpu.memory_space<hbm>> -> memref<1x50x128xf32, #tpu.memory_space<hbm>>
    %dma_wait3A_164 = arith.constant 0 : i32
    %dma_wait3A_165 = arith.constant 0 : i32
    %dma_wait3A_166 = arith.constant 128 : i32
    %dma_wait3A_167 = tpu.memref_slice %arg6[%dma_wait3A_164, %dma_wait3A_165, %dma_wait3A_166] : memref<4096x50x256xf32, #tpu.memory_space<hbm>> -> memref<1x50x128xf32, #tpu.memory_space<hbm>>
    tpu.wait_dma2 semaphore(%arg21 : memref<!tpu.dma_semaphore, #tpu.memory_space<semaphore_mem>>) src(%arg14 : memref<50x128xf32, #tpu.memory_space<vmem>>) dst(%dma_wait3A_167 : memref<1x50x128xf32, #tpu.memory_space<hbm>>)
    %add3A_168 = arith.constant 125 : i32
    %add3A_169 = arith.addi %mul3A_2, %add3A_168 : i32
    %mul3A_170 = arith.constant 1 : i32
    %mul3A_171 = arith.muli %add3A_169, %mul3A_170 : i32
    %add3A_172 = arith.constant 0 : i32
    %add3A_173 = arith.addi %mul3A_171, %add3A_172 : i32
    %dma_start3A_174 = arith.constant 0 : i32
    %dma_start3A_175 = arith.constant 0 : i32
    %dma_start3A_176 = tpu.memref_slice %arg13[%dma_start3A_174, %dma_start3A_175] : memref<50x128xf32, #tpu.memory_space<vmem>> -> memref<50x128xf32, #tpu.memory_space<vmem>>
    %dma_start3A_177 = arith.constant 0 : i32
    %dma_start3A_178 = arith.constant 0 : i32
    %dma_start3A_179 = tpu.memref_slice %arg6[%add3A_173, %dma_start3A_177, %dma_start3A_178] : memref<4096x50x256xf32, #tpu.memory_space<hbm>> -> memref<1x50x128xf32, #tpu.memory_space<hbm>>
    %dma_start3A_180 = tpu.memref_squeeze %dma_start3A_179 : memref<1x50x128xf32, #tpu.memory_space<hbm>> -> memref<50x128xf32, #tpu.memory_space<hbm>>
    %dma_start3A_181 = arith.constant 0 : i32
    %dma_start3A_182 = arith.constant 0 : i32
    %dma_start3A_183 = tpu.memref_slice %arg6[%add3A_173, %dma_start3A_181, %dma_start3A_182] : memref<4096x50x256xf32, #tpu.memory_space<hbm>> -> memref<1x50x128xf32, #tpu.memory_space<hbm>>
    %dma_start3A_184 = tpu.memref_squeeze %dma_start3A_183 : memref<1x50x128xf32, #tpu.memory_space<hbm>> -> memref<50x128xf32, #tpu.memory_space<hbm>>
    %dma_start3A_185 = arith.constant 0 : i32
    %dma_start3A_186 = arith.constant 0 : i32
    %dma_start3A_187 = tpu.memref_slice %arg13[%dma_start3A_185, %dma_start3A_186] : memref<50x128xf32, #tpu.memory_space<vmem>> -> memref<50x128xf32, #tpu.memory_space<vmem>>
    tpu.enqueue_dma source(%dma_start3A_187 : memref<50x128xf32, #tpu.memory_space<vmem>>) target(%dma_start3A_184 : memref<50x128xf32, #tpu.memory_space<hbm>>) target_semaphore(%arg22 : memref<!tpu.dma_semaphore, #tpu.memory_space<semaphore_mem>>)
    %add3A_188 = arith.constant 0 : i32
    %add3A_189 = arith.addi %mul3A_171, %add3A_188 : i32
    %dma_start3A_190 = arith.constant 0 : i32
    %dma_start3A_191 = arith.constant 0 : i32
    %dma_start3A_192 = tpu.memref_slice %arg14[%dma_start3A_190, %dma_start3A_191] : memref<50x128xf32, #tpu.memory_space<vmem>> -> memref<50x128xf32, #tpu.memory_space<vmem>>
    %dma_start3A_193 = arith.constant 0 : i32
    %dma_start3A_194 = arith.constant 128 : i32
    %dma_start3A_195 = tpu.memref_slice %arg6[%add3A_189, %dma_start3A_193, %dma_start3A_194] : memref<4096x50x256xf32, #tpu.memory_space<hbm>> -> memref<1x50x128xf32, #tpu.memory_space<hbm>>
    %dma_start3A_196 = tpu.memref_squeeze %dma_start3A_195 : memref<1x50x128xf32, #tpu.memory_space<hbm>> -> memref<50x128xf32, #tpu.memory_space<hbm>>
    %dma_start3A_197 = arith.constant 0 : i32
    %dma_start3A_198 = arith.constant 128 : i32
    %dma_start3A_199 = tpu.memref_slice %arg6[%add3A_189, %dma_start3A_197, %dma_start3A_198] : memref<4096x50x256xf32, #tpu.memory_space<hbm>> -> memref<1x50x128xf32, #tpu.memory_space<hbm>>
    %dma_start3A_200 = tpu.memref_squeeze %dma_start3A_199 : memref<1x50x128xf32, #tpu.memory_space<hbm>> -> memref<50x128xf32, #tpu.memory_space<hbm>>
    %dma_start3A_201 = arith.constant 0 : i32
    %dma_start3A_202 = arith.constant 0 : i32
    %dma_start3A_203 = tpu.memref_slice %arg14[%dma_start3A_201, %dma_start3A_202] : memref<50x128xf32, #tpu.memory_space<vmem>> -> memref<50x128xf32, #tpu.memory_space<vmem>>
    tpu.enqueue_dma source(%dma_start3A_203 : memref<50x128xf32, #tpu.memory_space<vmem>>) target(%dma_start3A_200 : memref<50x128xf32, #tpu.memory_space<hbm>>) target_semaphore(%arg22 : memref<!tpu.dma_semaphore, #tpu.memory_space<semaphore_mem>>)
    %dma_wait3A_204 = arith.constant 0 : i32
    %dma_wait3A_205 = arith.constant 0 : i32
    %dma_wait3A_206 = arith.constant 0 : i32
    %dma_wait3A_207 = tpu.memref_slice %arg13[%dma_wait3A_205, %dma_wait3A_206] : memref<50x128xf32, #tpu.memory_space<vmem>> -> memref<50x128xf32, #tpu.memory_space<vmem>>
    %dma_wait3A_208 = arith.constant 0 : i32
    %dma_wait3A_209 = arith.constant 0 : i32
    %dma_wait3A_210 = tpu.memref_slice %arg6[%dma_wait3A_204, %dma_wait3A_208, %dma_wait3A_209] : memref<4096x50x256xf32, #tpu.memory_space<hbm>> -> memref<1x50x128xf32, #tpu.memory_space<hbm>>
    %dma_wait3A_211 = tpu.memref_squeeze %dma_wait3A_210 : memref<1x50x128xf32, #tpu.memory_space<hbm>> -> memref<50x128xf32, #tpu.memory_space<hbm>>
    %dma_wait3A_212 = arith.constant 0 : i32
    %dma_wait3A_213 = arith.constant 0 : i32
    %dma_wait3A_214 = tpu.memref_slice %arg6[%dma_wait3A_204, %dma_wait3A_212, %dma_wait3A_213] : memref<4096x50x256xf32, #tpu.memory_space<hbm>> -> memref<1x50x128xf32, #tpu.memory_space<hbm>>
    %dma_wait3A_215 = tpu.memref_squeeze %dma_wait3A_214 : memref<1x50x128xf32, #tpu.memory_space<hbm>> -> memref<50x128xf32, #tpu.memory_space<hbm>>
    %dma_wait3A_216 = arith.constant 0 : i32
    %dma_wait3A_217 = arith.constant 0 : i32
    %dma_wait3A_218 = tpu.memref_slice %arg13[%dma_wait3A_216, %dma_wait3A_217] : memref<50x128xf32, #tpu.memory_space<vmem>> -> memref<50x128xf32, #tpu.memory_space<vmem>>
    tpu.wait_dma2 semaphore(%arg22 : memref<!tpu.dma_semaphore, #tpu.memory_space<semaphore_mem>>) src(%dma_wait3A_218 : memref<50x128xf32, #tpu.memory_space<vmem>>) dst(%dma_wait3A_215 : memref<50x128xf32, #tpu.memory_space<hbm>>)
    %dma_wait3A_219 = arith.constant 0 : i32
    %dma_wait3A_220 = arith.constant 0 : i32
    %dma_wait3A_221 = arith.constant 0 : i32
    %dma_wait3A_222 = tpu.memref_slice %arg14[%dma_wait3A_220, %dma_wait3A_221] : memref<50x128xf32, #tpu.memory_space<vmem>> -> memref<50x128xf32, #tpu.memory_space<vmem>>
    %dma_wait3A_223 = arith.constant 0 : i32
    %dma_wait3A_224 = arith.constant 128 : i32
    %dma_wait3A_225 = tpu.memref_slice %arg6[%dma_wait3A_219, %dma_wait3A_223, %dma_wait3A_224] : memref<4096x50x256xf32, #tpu.memory_space<hbm>> -> memref<1x50x128xf32, #tpu.memory_space<hbm>>
    %dma_wait3A_226 = tpu.memref_squeeze %dma_wait3A_225 : memref<1x50x128xf32, #tpu.memory_space<hbm>> -> memref<50x128xf32, #tpu.memory_space<hbm>>
    %dma_wait3A_227 = arith.constant 0 : i32
    %dma_wait3A_228 = arith.constant 128 : i32
    %dma_wait3A_229 = tpu.memref_slice %arg6[%dma_wait3A_219, %dma_wait3A_227, %dma_wait3A_228] : memref<4096x50x256xf32, #tpu.memory_space<hbm>> -> memref<1x50x128xf32, #tpu.memory_space<hbm>>
    %dma_wait3A_230 = tpu.memref_squeeze %dma_wait3A_229 : memref<1x50x128xf32, #tpu.memory_space<hbm>> -> memref<50x128xf32, #tpu.memory_space<hbm>>
    %dma_wait3A_231 = arith.constant 0 : i32
    %dma_wait3A_232 = arith.constant 0 : i32
    %dma_wait3A_233 = tpu.memref_slice %arg14[%dma_wait3A_231, %dma_wait3A_232] : memref<50x128xf32, #tpu.memory_space<vmem>> -> memref<50x128xf32, #tpu.memory_space<vmem>>
    tpu.wait_dma2 semaphore(%arg22 : memref<!tpu.dma_semaphore, #tpu.memory_space<semaphore_mem>>) src(%dma_wait3A_233 : memref<50x128xf32, #tpu.memory_space<vmem>>) dst(%dma_wait3A_230 : memref<50x128xf32, #tpu.memory_space<hbm>>)
    %dma_wait3A_234 = arith.constant 0 : i32
    %dma_wait3A_235 = arith.constant 0 : i32
    %dma_wait3A_236 = arith.constant 0 : i32
    %dma_wait3A_237 = tpu.memref_slice %arg6[%dma_wait3A_234, %dma_wait3A_235, %dma_wait3A_236] : memref<4096x50x256xf32, #tpu.memory_space<hbm>> -> memref<1x50x128xf32, #tpu.memory_space<hbm>>
    %dma_wait3A_238 = arith.constant 0 : i32
    %dma_wait3A_239 = arith.constant 0 : i32
    %dma_wait3A_240 = arith.constant 0 : i32
    %dma_wait3A_241 = tpu.memref_slice %arg6[%dma_wait3A_238, %dma_wait3A_239, %dma_wait3A_240] : memref<4096x50x256xf32, #tpu.memory_space<hbm>> -> memref<1x50x128xf32, #tpu.memory_space<hbm>>
    tpu.wait_dma2 semaphore(%arg23 : memref<!tpu.dma_semaphore, #tpu.memory_space<semaphore_mem>>) src(%arg15 : memref<50x128xf32, #tpu.memory_space<vmem>>) dst(%dma_wait3A_241 : memref<1x50x128xf32, #tpu.memory_space<hbm>>)
    %dma_wait3A_242 = arith.constant 0 : i32
    %dma_wait3A_243 = arith.constant 0 : i32
    %dma_wait3A_244 = arith.constant 128 : i32
    %dma_wait3A_245 = tpu.memref_slice %arg6[%dma_wait3A_242, %dma_wait3A_243, %dma_wait3A_244] : memref<4096x50x256xf32, #tpu.memory_space<hbm>> -> memref<1x50x128xf32, #tpu.memory_space<hbm>>
    %dma_wait3A_246 = arith.constant 0 : i32
    %dma_wait3A_247 = arith.constant 0 : i32
    %dma_wait3A_248 = arith.constant 128 : i32
    %dma_wait3A_249 = tpu.memref_slice %arg6[%dma_wait3A_246, %dma_wait3A_247, %dma_wait3A_248] : memref<4096x50x256xf32, #tpu.memory_space<hbm>> -> memref<1x50x128xf32, #tpu.memory_space<hbm>>
    tpu.wait_dma2 semaphore(%arg23 : memref<!tpu.dma_semaphore, #tpu.memory_space<semaphore_mem>>) src(%arg16 : memref<50x128xf32, #tpu.memory_space<vmem>>) dst(%dma_wait3A_249 : memref<1x50x128xf32, #tpu.memory_space<hbm>>)
    %add3A_250 = arith.constant 126 : i32
    %add3A_251 = arith.addi %mul3A_2, %add3A_250 : i32
    %mul3A_252 = arith.constant 1 : i32
    %mul3A_253 = arith.muli %add3A_251, %mul3A_252 : i32
    %add3A_254 = arith.constant 0 : i32
    %add3A_255 = arith.addi %mul3A_253, %add3A_254 : i32
    %dma_start3A_256 = arith.constant 0 : i32
    %dma_start3A_257 = arith.constant 0 : i32
    %dma_start3A_258 = tpu.memref_slice %arg15[%dma_start3A_256, %dma_start3A_257] : memref<50x128xf32, #tpu.memory_space<vmem>> -> memref<50x128xf32, #tpu.memory_space<vmem>>
    %dma_start3A_259 = arith.constant 0 : i32
    %dma_start3A_260 = arith.constant 0 : i32
    %dma_start3A_261 = tpu.memref_slice %arg6[%add3A_255, %dma_start3A_259, %dma_start3A_260] : memref<4096x50x256xf32, #tpu.memory_space<hbm>> -> memref<1x50x128xf32, #tpu.memory_space<hbm>>
    %dma_start3A_262 = tpu.memref_squeeze %dma_start3A_261 : memref<1x50x128xf32, #tpu.memory_space<hbm>> -> memref<50x128xf32, #tpu.memory_space<hbm>>
    %dma_start3A_263 = arith.constant 0 : i32
    %dma_start3A_264 = arith.constant 0 : i32
    %dma_start3A_265 = tpu.memref_slice %arg6[%add3A_255, %dma_start3A_263, %dma_start3A_264] : memref<4096x50x256xf32, #tpu.memory_space<hbm>> -> memref<1x50x128xf32, #tpu.memory_space<hbm>>
    %dma_start3A_266 = tpu.memref_squeeze %dma_start3A_265 : memref<1x50x128xf32, #tpu.memory_space<hbm>> -> memref<50x128xf32, #tpu.memory_space<hbm>>
    %dma_start3A_267 = arith.constant 0 : i32
    %dma_start3A_268 = arith.constant 0 : i32
    %dma_start3A_269 = tpu.memref_slice %arg15[%dma_start3A_267, %dma_start3A_268] : memref<50x128xf32, #tpu.memory_space<vmem>> -> memref<50x128xf32, #tpu.memory_space<vmem>>
    tpu.enqueue_dma source(%dma_start3A_269 : memref<50x128xf32, #tpu.memory_space<vmem>>) target(%dma_start3A_266 : memref<50x128xf32, #tpu.memory_space<hbm>>) target_semaphore(%arg24 : memref<!tpu.dma_semaphore, #tpu.memory_space<semaphore_mem>>)
    %add3A_270 = arith.constant 0 : i32
    %add3A_271 = arith.addi %mul3A_253, %add3A_270 : i32
    %dma_start3A_272 = arith.constant 0 : i32
    %dma_start3A_273 = arith.constant 0 : i32
    %dma_start3A_274 = tpu.memref_slice %arg16[%dma_start3A_272, %dma_start3A_273] : memref<50x128xf32, #tpu.memory_space<vmem>> -> memref<50x128xf32, #tpu.memory_space<vmem>>
    %dma_start3A_275 = arith.constant 0 : i32
    %dma_start3A_276 = arith.constant 128 : i32
    %dma_start3A_277 = tpu.memref_slice %arg6[%add3A_271, %dma_start3A_275, %dma_start3A_276] : memref<4096x50x256xf32, #tpu.memory_space<hbm>> -> memref<1x50x128xf32, #tpu.memory_space<hbm>>
    %dma_start3A_278 = tpu.memref_squeeze %dma_start3A_277 : memref<1x50x128xf32, #tpu.memory_space<hbm>> -> memref<50x128xf32, #tpu.memory_space<hbm>>
    %dma_start3A_279 = arith.constant 0 : i32
    %dma_start3A_280 = arith.constant 128 : i32
    %dma_start3A_281 = tpu.memref_slice %arg6[%add3A_271, %dma_start3A_279, %dma_start3A_280] : memref<4096x50x256xf32, #tpu.memory_space<hbm>> -> memref<1x50x128xf32, #tpu.memory_space<hbm>>
    %dma_start3A_282 = tpu.memref_squeeze %dma_start3A_281 : memref<1x50x128xf32, #tpu.memory_space<hbm>> -> memref<50x128xf32, #tpu.memory_space<hbm>>
    %dma_start3A_283 = arith.constant 0 : i32
    %dma_start3A_284 = arith.constant 0 : i32
    %dma_start3A_285 = tpu.memref_slice %arg16[%dma_start3A_283, %dma_start3A_284] : memref<50x128xf32, #tpu.memory_space<vmem>> -> memref<50x128xf32, #tpu.memory_space<vmem>>
    tpu.enqueue_dma source(%dma_start3A_285 : memref<50x128xf32, #tpu.memory_space<vmem>>) target(%dma_start3A_282 : memref<50x128xf32, #tpu.memory_space<hbm>>) target_semaphore(%arg24 : memref<!tpu.dma_semaphore, #tpu.memory_space<semaphore_mem>>)
    %dma_wait3A_286 = arith.constant 0 : i32
    %dma_wait3A_287 = arith.constant 0 : i32
    %dma_wait3A_288 = arith.constant 0 : i32
    %dma_wait3A_289 = tpu.memref_slice %arg15[%dma_wait3A_287, %dma_wait3A_288] : memref<50x128xf32, #tpu.memory_space<vmem>> -> memref<50x128xf32, #tpu.memory_space<vmem>>
    %dma_wait3A_290 = arith.constant 0 : i32
    %dma_wait3A_291 = arith.constant 0 : i32
    %dma_wait3A_292 = tpu.memref_slice %arg6[%dma_wait3A_286, %dma_wait3A_290, %dma_wait3A_291] : memref<4096x50x256xf32, #tpu.memory_space<hbm>> -> memref<1x50x128xf32, #tpu.memory_space<hbm>>
    %dma_wait3A_293 = tpu.memref_squeeze %dma_wait3A_292 : memref<1x50x128xf32, #tpu.memory_space<hbm>> -> memref<50x128xf32, #tpu.memory_space<hbm>>
    %dma_wait3A_294 = arith.constant 0 : i32
    %dma_wait3A_295 = arith.constant 0 : i32
    %dma_wait3A_296 = tpu.memref_slice %arg6[%dma_wait3A_286, %dma_wait3A_294, %dma_wait3A_295] : memref<4096x50x256xf32, #tpu.memory_space<hbm>> -> memref<1x50x128xf32, #tpu.memory_space<hbm>>
    %dma_wait3A_297 = tpu.memref_squeeze %dma_wait3A_296 : memref<1x50x128xf32, #tpu.memory_space<hbm>> -> memref<50x128xf32, #tpu.memory_space<hbm>>
    %dma_wait3A_298 = arith.constant 0 : i32
    %dma_wait3A_299 = arith.constant 0 : i32
    %dma_wait3A_300 = tpu.memref_slice %arg15[%dma_wait3A_298, %dma_wait3A_299] : memref<50x128xf32, #tpu.memory_space<vmem>> -> memref<50x128xf32, #tpu.memory_space<vmem>>
    tpu.wait_dma2 semaphore(%arg24 : memref<!tpu.dma_semaphore, #tpu.memory_space<semaphore_mem>>) src(%dma_wait3A_300 : memref<50x128xf32, #tpu.memory_space<vmem>>) dst(%dma_wait3A_297 : memref<50x128xf32, #tpu.memory_space<hbm>>)
    %dma_wait3A_301 = arith.constant 0 : i32
    %dma_wait3A_302 = arith.constant 0 : i32
    %dma_wait3A_303 = arith.constant 0 : i32
    %dma_wait3A_304 = tpu.memref_slice %arg16[%dma_wait3A_302, %dma_wait3A_303] : memref<50x128xf32, #tpu.memory_space<vmem>> -> memref<50x128xf32, #tpu.memory_space<vmem>>
    %dma_wait3A_305 = arith.constant 0 : i32
    %dma_wait3A_306 = arith.constant 128 : i32
    %dma_wait3A_307 = tpu.memref_slice %arg6[%dma_wait3A_301, %dma_wait3A_305, %dma_wait3A_306] : memref<4096x50x256xf32, #tpu.memory_space<hbm>> -> memref<1x50x128xf32, #tpu.memory_space<hbm>>
    %dma_wait3A_308 = tpu.memref_squeeze %dma_wait3A_307 : memref<1x50x128xf32, #tpu.memory_space<hbm>> -> memref<50x128xf32, #tpu.memory_space<hbm>>
    %dma_wait3A_309 = arith.constant 0 : i32
    %dma_wait3A_310 = arith.constant 128 : i32
    %dma_wait3A_311 = tpu.memref_slice %arg6[%dma_wait3A_301, %dma_wait3A_309, %dma_wait3A_310] : memref<4096x50x256xf32, #tpu.memory_space<hbm>> -> memref<1x50x128xf32, #tpu.memory_space<hbm>>
    %dma_wait3A_312 = tpu.memref_squeeze %dma_wait3A_311 : memref<1x50x128xf32, #tpu.memory_space<hbm>> -> memref<50x128xf32, #tpu.memory_space<hbm>>
    %dma_wait3A_313 = arith.constant 0 : i32
    %dma_wait3A_314 = arith.constant 0 : i32
    %dma_wait3A_315 = tpu.memref_slice %arg16[%dma_wait3A_313, %dma_wait3A_314] : memref<50x128xf32, #tpu.memory_space<vmem>> -> memref<50x128xf32, #tpu.memory_space<vmem>>
    tpu.wait_dma2 semaphore(%arg24 : memref<!tpu.dma_semaphore, #tpu.memory_space<semaphore_mem>>) src(%dma_wait3A_315 : memref<50x128xf32, #tpu.memory_space<vmem>>) dst(%dma_wait3A_312 : memref<50x128xf32, #tpu.memory_space<hbm>>)
    %dma_wait3A_316 = arith.constant 0 : i32
    %dma_wait3A_317 = arith.constant 0 : i32
    %dma_wait3A_318 = arith.constant 0 : i32
    %dma_wait3A_319 = tpu.memref_slice %arg6[%dma_wait3A_316, %dma_wait3A_317, %dma_wait3A_318] : memref<4096x50x256xf32, #tpu.memory_space<hbm>> -> memref<1x50x128xf32, #tpu.memory_space<hbm>>
    %dma_wait3A_320 = arith.constant 0 : i32
    %dma_wait3A_321 = arith.constant 0 : i32
    %dma_wait3A_322 = arith.constant 0 : i32
    %dma_wait3A_323 = tpu.memref_slice %arg6[%dma_wait3A_320, %dma_wait3A_321, %dma_wait3A_322] : memref<4096x50x256xf32, #tpu.memory_space<hbm>> -> memref<1x50x128xf32, #tpu.memory_space<hbm>>
    tpu.wait_dma2 semaphore(%arg25 : memref<!tpu.dma_semaphore, #tpu.memory_space<semaphore_mem>>) src(%arg17 : memref<50x128xf32, #tpu.memory_space<vmem>>) dst(%dma_wait3A_323 : memref<1x50x128xf32, #tpu.memory_space<hbm>>)
    %dma_wait3A_324 = arith.constant 0 : i32
    %dma_wait3A_325 = arith.constant 0 : i32
    %dma_wait3A_326 = arith.constant 128 : i32
    %dma_wait3A_327 = tpu.memref_slice %arg6[%dma_wait3A_324, %dma_wait3A_325, %dma_wait3A_326] : memref<4096x50x256xf32, #tpu.memory_space<hbm>> -> memref<1x50x128xf32, #tpu.memory_space<hbm>>
    %dma_wait3A_328 = arith.constant 0 : i32
    %dma_wait3A_329 = arith.constant 0 : i32
    %dma_wait3A_330 = arith.constant 128 : i32
    %dma_wait3A_331 = tpu.memref_slice %arg6[%dma_wait3A_328, %dma_wait3A_329, %dma_wait3A_330] : memref<4096x50x256xf32, #tpu.memory_space<hbm>> -> memref<1x50x128xf32, #tpu.memory_space<hbm>>
    tpu.wait_dma2 semaphore(%arg25 : memref<!tpu.dma_semaphore, #tpu.memory_space<semaphore_mem>>) src(%arg18 : memref<50x128xf32, #tpu.memory_space<vmem>>) dst(%dma_wait3A_331 : memref<1x50x128xf32, #tpu.memory_space<hbm>>)
    %add3A_332 = arith.constant 127 : i32
    %add3A_333 = arith.addi %mul3A_2, %add3A_332 : i32
    %mul3A_334 = arith.constant 1 : i32
    %mul3A_335 = arith.muli %add3A_333, %mul3A_334 : i32
    %add3A_336 = arith.constant 0 : i32
    %add3A_337 = arith.addi %mul3A_335, %add3A_336 : i32
    %dma_start3A_338 = arith.constant 0 : i32
    %dma_start3A_339 = arith.constant 0 : i32
    %dma_start3A_340 = tpu.memref_slice %arg17[%dma_start3A_338, %dma_start3A_339] : memref<50x128xf32, #tpu.memory_space<vmem>> -> memref<50x128xf32, #tpu.memory_space<vmem>>
    %dma_start3A_341 = arith.constant 0 : i32
    %dma_start3A_342 = arith.constant 0 : i32
    %dma_start3A_343 = tpu.memref_slice %arg6[%add3A_337, %dma_start3A_341, %dma_start3A_342] : memref<4096x50x256xf32, #tpu.memory_space<hbm>> -> memref<1x50x128xf32, #tpu.memory_space<hbm>>
    %dma_start3A_344 = tpu.memref_squeeze %dma_start3A_343 : memref<1x50x128xf32, #tpu.memory_space<hbm>> -> memref<50x128xf32, #tpu.memory_space<hbm>>
    %dma_start3A_345 = arith.constant 0 : i32
    %dma_start3A_346 = arith.constant 0 : i32
    %dma_start3A_347 = tpu.memref_slice %arg6[%add3A_337, %dma_start3A_345, %dma_start3A_346] : memref<4096x50x256xf32, #tpu.memory_space<hbm>> -> memref<1x50x128xf32, #tpu.memory_space<hbm>>
    %dma_start3A_348 = tpu.memref_squeeze %dma_start3A_347 : memref<1x50x128xf32, #tpu.memory_space<hbm>> -> memref<50x128xf32, #tpu.memory_space<hbm>>
    %dma_start3A_349 = arith.constant 0 : i32
    %dma_start3A_350 = arith.constant 0 : i32
    %dma_start3A_351 = tpu.memref_slice %arg17[%dma_start3A_349, %dma_start3A_350] : memref<50x128xf32, #tpu.memory_space<vmem>> -> memref<50x128xf32, #tpu.memory_space<vmem>>
    tpu.enqueue_dma source(%dma_start3A_351 : memref<50x128xf32, #tpu.memory_space<vmem>>) target(%dma_start3A_348 : memref<50x128xf32, #tpu.memory_space<hbm>>) target_semaphore(%arg26 : memref<!tpu.dma_semaphore, #tpu.memory_space<semaphore_mem>>)
    %add3A_352 = arith.constant 0 : i32
    %add3A_353 = arith.addi %mul3A_335, %add3A_352 : i32
    %dma_start3A_354 = arith.constant 0 : i32
    %dma_start3A_355 = arith.constant 0 : i32
    %dma_start3A_356 = tpu.memref_slice %arg18[%dma_start3A_354, %dma_start3A_355] : memref<50x128xf32, #tpu.memory_space<vmem>> -> memref<50x128xf32, #tpu.memory_space<vmem>>
    %dma_start3A_357 = arith.constant 0 : i32
    %dma_start3A_358 = arith.constant 128 : i32
    %dma_start3A_359 = tpu.memref_slice %arg6[%add3A_353, %dma_start3A_357, %dma_start3A_358] : memref<4096x50x256xf32, #tpu.memory_space<hbm>> -> memref<1x50x128xf32, #tpu.memory_space<hbm>>
    %dma_start3A_360 = tpu.memref_squeeze %dma_start3A_359 : memref<1x50x128xf32, #tpu.memory_space<hbm>> -> memref<50x128xf32, #tpu.memory_space<hbm>>
    %dma_start3A_361 = arith.constant 0 : i32
    %dma_start3A_362 = arith.constant 128 : i32
    %dma_start3A_363 = tpu.memref_slice %arg6[%add3A_353, %dma_start3A_361, %dma_start3A_362] : memref<4096x50x256xf32, #tpu.memory_space<hbm>> -> memref<1x50x128xf32, #tpu.memory_space<hbm>>
    %dma_start3A_364 = tpu.memref_squeeze %dma_start3A_363 : memref<1x50x128xf32, #tpu.memory_space<hbm>> -> memref<50x128xf32, #tpu.memory_space<hbm>>
    %dma_start3A_365 = arith.constant 0 : i32
    %dma_start3A_366 = arith.constant 0 : i32
    %dma_start3A_367 = tpu.memref_slice %arg18[%dma_start3A_365, %dma_start3A_366] : memref<50x128xf32, #tpu.memory_space<vmem>> -> memref<50x128xf32, #tpu.memory_space<vmem>>
    tpu.enqueue_dma source(%dma_start3A_367 : memref<50x128xf32, #tpu.memory_space<vmem>>) target(%dma_start3A_364 : memref<50x128xf32, #tpu.memory_space<hbm>>) target_semaphore(%arg26 : memref<!tpu.dma_semaphore, #tpu.memory_space<semaphore_mem>>)
    %dma_wait3A_368 = arith.constant 0 : i32
    %dma_wait3A_369 = arith.constant 0 : i32
    %dma_wait3A_370 = arith.constant 0 : i32
    %dma_wait3A_371 = tpu.memref_slice %arg17[%dma_wait3A_369, %dma_wait3A_370] : memref<50x128xf32, #tpu.memory_space<vmem>> -> memref<50x128xf32, #tpu.memory_space<vmem>>
    %dma_wait3A_372 = arith.constant 0 : i32
    %dma_wait3A_373 = arith.constant 0 : i32
    %dma_wait3A_374 = tpu.memref_slice %arg6[%dma_wait3A_368, %dma_wait3A_372, %dma_wait3A_373] : memref<4096x50x256xf32, #tpu.memory_space<hbm>> -> memref<1x50x128xf32, #tpu.memory_space<hbm>>
    %dma_wait3A_375 = tpu.memref_squeeze %dma_wait3A_374 : memref<1x50x128xf32, #tpu.memory_space<hbm>> -> memref<50x128xf32, #tpu.memory_space<hbm>>
    %dma_wait3A_376 = arith.constant 0 : i32
    %dma_wait3A_377 = arith.constant 0 : i32
    %dma_wait3A_378 = tpu.memref_slice %arg6[%dma_wait3A_368, %dma_wait3A_376, %dma_wait3A_377] : memref<4096x50x256xf32, #tpu.memory_space<hbm>> -> memref<1x50x128xf32, #tpu.memory_space<hbm>>
    %dma_wait3A_379 = tpu.memref_squeeze %dma_wait3A_378 : memref<1x50x128xf32, #tpu.memory_space<hbm>> -> memref<50x128xf32, #tpu.memory_space<hbm>>
    %dma_wait3A_380 = arith.constant 0 : i32
    %dma_wait3A_381 = arith.constant 0 : i32
    %dma_wait3A_382 = tpu.memref_slice %arg17[%dma_wait3A_380, %dma_wait3A_381] : memref<50x128xf32, #tpu.memory_space<vmem>> -> memref<50x128xf32, #tpu.memory_space<vmem>>
    tpu.wait_dma2 semaphore(%arg26 : memref<!tpu.dma_semaphore, #tpu.memory_space<semaphore_mem>>) src(%dma_wait3A_382 : memref<50x128xf32, #tpu.memory_space<vmem>>) dst(%dma_wait3A_379 : memref<50x128xf32, #tpu.memory_space<hbm>>)
    %dma_wait3A_383 = arith.constant 0 : i32
    %dma_wait3A_384 = arith.constant 0 : i32
    %dma_wait3A_385 = arith.constant 0 : i32
    %dma_wait3A_386 = tpu.memref_slice %arg18[%dma_wait3A_384, %dma_wait3A_385] : memref<50x128xf32, #tpu.memory_space<vmem>> -> memref<50x128xf32, #tpu.memory_space<vmem>>
    %dma_wait3A_387 = arith.constant 0 : i32
    %dma_wait3A_388 = arith.constant 128 : i32
    %dma_wait3A_389 = tpu.memref_slice %arg6[%dma_wait3A_383, %dma_wait3A_387, %dma_wait3A_388] : memref<4096x50x256xf32, #tpu.memory_space<hbm>> -> memref<1x50x128xf32, #tpu.memory_space<hbm>>
    %dma_wait3A_390 = tpu.memref_squeeze %dma_wait3A_389 : memref<1x50x128xf32, #tpu.memory_space<hbm>> -> memref<50x128xf32, #tpu.memory_space<hbm>>
    %dma_wait3A_391 = arith.constant 0 : i32
    %dma_wait3A_392 = arith.constant 128 : i32
    %dma_wait3A_393 = tpu.memref_slice %arg6[%dma_wait3A_383, %dma_wait3A_391, %dma_wait3A_392] : memref<4096x50x256xf32, #tpu.memory_space<hbm>> -> memref<1x50x128xf32, #tpu.memory_space<hbm>>
    %dma_wait3A_394 = tpu.memref_squeeze %dma_wait3A_393 : memref<1x50x128xf32, #tpu.memory_space<hbm>> -> memref<50x128xf32, #tpu.memory_space<hbm>>
    %dma_wait3A_395 = arith.constant 0 : i32
    %dma_wait3A_396 = arith.constant 0 : i32
    %dma_wait3A_397 = tpu.memref_slice %arg18[%dma_wait3A_395, %dma_wait3A_396] : memref<50x128xf32, #tpu.memory_space<vmem>> -> memref<50x128xf32, #tpu.memory_space<vmem>>
    tpu.wait_dma2 semaphore(%arg26 : memref<!tpu.dma_semaphore, #tpu.memory_space<semaphore_mem>>) src(%dma_wait3A_397 : memref<50x128xf32, #tpu.memory_space<vmem>>) dst(%dma_wait3A_394 : memref<50x128xf32, #tpu.memory_space<hbm>>)
    return
  }
}

</mosaic_0001>

<sc_bundles>
// kernel: kernel.3.cloned.1.call-start
scs
__scs_entry_jumppad:
0x0: {  	(pc) =	sbr.rel $0x88, $3  }
0x1: {  	(tag) =	ssettag $0x0;
	lr =	simm.s32 $0x1  }
0x2: {  	[smem:$0x3F9D] =	sst lr;
	_ =	strace $0xD0000000  }
0x3: {  	_ = 	snop  }
0x4: {  	_ = 	snop  }
0x5: {  	_ = 	snop  }
0x6: {  	_ = 	snop  }
0x7: {  	_ = 	snop  }
__scs_overlays_trampoline_lowered:
0x8: {  	[smem:$0x3FAC] =	sst s0  }
0x9: {  	[smem:$0x3FAD] =	sst s1  }
0xa: {  	[smem:$0x3FAE] =	sst s2  }
0xb: {  	[smem:$0x3FAF] =	sst s3  }
0xc: {  	[smem:$0x3FB0] =	sst s4  }
0xd: {  	[smem:$0x3FB1] =	sst s5  }
0xe: {  	[smem:$0x3FB2] =	sst s6  }
0xf: {  	[smem:$0x3FB3] =	sst s7  }
0x10: {  	[smem:$0x3FB4] =	sst s8  }
0x11: {  	[smem:$0x3FB5] =	sst s9;
	s0 =	simm.s32 @!p0 $0x0  }
0x12: {  	s1 =	sld [smem:$0x3F9B];
	s0 =	simm.s32 @p0 $0x1  }
0x13: {  	[smem:$0x3FB6] =	sst s0;
	s0 =	simm.s32 @!p1 $0x0  }
0x14: {  	s2 =	sld [smem:$0x3F9A];
	s0 =	simm.s32 @p1 $0x1  }
0x15: {  	[smem:$0x3FB7] =	sst s0;
	s0 =	simm.s32 @!p2 $0x0  }
0x16: {  	s3 =	sld [smem:$0x3FDB];
	s0 =	simm.s32 @p2 $0x1  }
0x17: {  	s4 =	simm.s32 $0x1BF5;
	[smem:$0x3FB9] =	sst s0  }
0x18: {  	s0 =	sld [smem:$0x3F9C];
	_ =	swait.ge [sflag:s4], $0x0  }
0x19: {  	s7 =	sld [smem:$0x3F9D]  }
0x1a: {  	s8 =	sadd.s32 $0xFFFFE003, lr  }
0x1b: {  	s9 =	sadd.s32 $0xFFFFFEF7, lr;
	s5 =	simm.s32 $0xFFFFFFFF;
	p2 =	slt.u32 s8, $0xFFFFF086  }
0x1c: {  	p1 =	slt.u32 s9, $0xF7A;
	s5 =	simm.s32 @!p2 $0x0  }
0x1d: {  	s5 =	simm.s32 @p1 $0x1;
	p0 =	seq.s32 s7, s2  }
0x1e: {  	s7 =	smul.u32 @!p0 $0xF7A, s2;
	p2 =	seq.s32 @!p0 s5, $0x0  }
0x1f: {  	s9 =	smul.u32 $0xF7A, s1;
	s8 =	simm.s32 @!p0 $0x1BF5;
	p2 =	por !p2, p0  }
0x20: {  	[sflag:s8] =	ssyncset.s32 @!p0 $0xFFFFF086;
	s6 =	sadd.s32 @!p0 s3, s7;
	s7 =	simm.s32 @!p0 $0x108  }
0x21: {  	s3 =	sadd.s32 s3, s9;
	s6 =	sadd.s32 @!p0 $0x88, s6;
	s7 =	simm.s32 @p2 $0x1082  }
0x22: {  	[simem:s7], [sflag:s8] =	dma.local @!p0 [hbm:s6], $0xF7A  }
0x23: {  	s9 =	sor.u32 $0xD0000000, s2;
	s6 =	simm.s32 $0x108;
	_ =	swait.ge @!p0 [sflag:s8], $0x0  }
0x24: {  	s3 =	sadd.s32 $0x88, s3;
	s6 =	simm.s32 @!p1 $0x1082;
	[sflag:s4] =	ssyncset.s32 $0xFFFFF086  }
0x25: {  	[simem:s6], [sflag:s4] =	dma.local [hbm:s3], $0xF7A  }
0x26: {  	[smem:$0x3F9D] =	sst s1;
	(tag) =	ssettag s2;
	_ =	strace s9  }
0x27: {  	s1 =	sld [smem:$0x3FAD]  }
0x28: {  	s2 =	sld [smem:$0x3FAE]  }
0x29: {  	s4 =	sld [smem:$0x3FB0]  }
0x2a: {  	p0 =	seq.s32 s5, $0x0;
	s5 =	sld [smem:$0x3FB1]  }
0x2b: {  	s6 =	sld [smem:$0x3FB2]  }
0x2c: {  	s7 =	sld [smem:$0x3FB3]  }
0x2d: {  	s3 =	simm.s32 $0x108;
	s8 =	sld [smem:$0x3FB4]  }
0x2e: {  	s3 =	simm.s32 @!p0 $0x1082;
	s9 =	sld [smem:$0x3FB5]  }
0x2f: {  	lr =	sadd.s32 s0, s3;
	s0 =	sld [smem:$0x3FAC]  }
0x30: {  	s3 =	sld [smem:$0x3FAF]  }
0x31: {  	[smem:$0x3FB8] =	sst s10  }
0x32: {  	s10 =	sld [smem:$0x3FB6];
	_ =	sdelay $0x3  }
0x33: {  	p0 =	seq.s32 s10, $0x1;
	s10 =	sld [smem:$0x3FB8];
	_ =	sdelay $0x3  }
0x34: {  	[smem:$0x3FB8] =	sst s10  }
0x35: {  	s10 =	sld [smem:$0x3FB7];
	_ =	sdelay $0x3  }
0x36: {  	p1 =	seq.s32 s10, $0x1;
	s10 =	sld [smem:$0x3FB8];
	_ =	sdelay $0x3  }
0x37: {  	[smem:$0x3FB8] =	sst s10  }
0x38: {  	s10 =	sld [smem:$0x3FB9]  }
0x39: {  	_ = 	snop;
	(pc) =	sbr.ind lr, $3  }
0x3a: {  	_ = 	snop  }
0x3b: {  	_ = 	snop  }
0x3c: {  	p2 =	seq.s32 s10, $0x1;
	s10 =	sld [smem:$0x3FB8]  }
0x3d: {  	_ =	shalt  }
0x3e: {  	_ =	shalt  }
0x3f: {  	_ =	shalt  }
0x40: {  	_ =	shalt  }
0x41: {  	_ =	shalt  }
0x42: {  	_ =	shalt  }
0x43: {  	_ =	shalt  }
0x44: {  	_ =	shalt  }
0x45: {  	_ =	shalt  }
0x46: {  	_ =	shalt  }
0x47: {  	_ =	shalt  }
0x48: {  	_ =	shalt  }
0x49: {  	_ =	shalt  }
0x4a: {  	_ =	shalt  }
0x4b: {  	_ =	shalt  }
0x4c: {  	_ =	shalt  }
0x4d: {  	_ =	shalt  }
0x4e: {  	_ =	shalt  }
0x4f: {  	_ =	shalt  }
0x50: {  	_ =	shalt  }
0x51: {  	_ =	shalt  }
0x52: {  	_ =	shalt  }
0x53: {  	_ =	shalt  }
0x54: {  	_ =	shalt  }
0x55: {  	_ =	shalt  }
0x56: {  	_ =	shalt  }
0x57: {  	_ =	shalt  }
0x58: {  	_ =	shalt  }
0x59: {  	_ =	shalt  }
0x5a: {  	_ =	shalt  }
0x5b: {  	_ =	shalt  }
0x5c: {  	_ =	shalt  }
0x5d: {  	_ =	shalt  }
0x5e: {  	_ =	shalt  }
0x5f: {  	_ =	shalt  }
0x60: {  	_ =	shalt  }
0x61: {  	_ =	shalt  }
0x62: {  	_ =	shalt  }
0x63: {  	_ =	shalt  }
0x64: {  	_ =	shalt  }
0x65: {  	_ =	shalt  }
0x66: {  	_ =	shalt  }
0x67: {  	_ =	shalt  }
0x68: {  	_ =	shalt  }
0x69: {  	_ =	shalt  }
0x6a: {  	_ =	shalt  }
0x6b: {  	_ =	shalt  }
0x6c: {  	_ =	shalt  }
0x6d: {  	_ =	shalt  }
0x6e: {  	_ =	shalt  }
0x6f: {  	_ =	shalt  }
0x70: {  	_ =	shalt  }
0x71: {  	_ =	shalt  }
0x72: {  	_ =	shalt  }
0x73: {  	_ =	shalt  }
0x74: {  	_ =	shalt  }
0x75: {  	_ =	shalt  }
0x76: {  	_ =	shalt  }
0x77: {  	_ =	shalt  }
0x78: {  	_ =	shalt  }
0x79: {  	_ =	shalt  }
0x7a: {  	_ =	shalt  }
0x7b: {  	_ =	shalt  }
0x7c: {  	_ =	shalt  }
0x7d: {  	_ =	shalt  }
0x7e: {  	_ =	shalt  }
0x7f: {  	_ =	shalt  }
0x80: {  	_ =	shalt  }
0x81: {  	_ =	shalt  }
0x82: {  	_ =	shalt  }
0x83: {  	_ =	shalt  }
0x84: {  	_ =	shalt  }
0x85: {  	_ =	shalt  }
0x86: {  	_ =	shalt  }
0x87: {  	_ =	shalt  }
.Lfunc_end0:
.L_simem_size_0:
called_computation.1_lowered:
.L_overlay_start_0:
0x88: {  	s2 =	sld [smem:$0x3FD9]  }
0x89: {  	s3 =	sld [smem:$0x3FFE];
	_ =	sdelay $0x1  }
0x8a: {  	s1 =	srdreg.scid  }
0x8b: {  	s0 =	sand.u32 $0x1, s1  }
0x8c: {  	s17 =	sshll.u32 s0, $0xA;
	s2 =	sadd.s32 s3, s2  }
0x8d: {  	s2 =	sadd.s32 s2, s17  }
0x8e: {  	[smem:$0x3FC4] =	sst s2  }
0x8f: {  	_ = 	snop  }
0x90: {  	s2 =	sld [smem:$0x3FC7]  }
0x91: {  	s18 =	sld [smem:$0x3FC6]  }
0x92: {  	s4 =	sld [smem:$0x3FD0];
	(tm) =	ssettm $0x1  }
0x93: {  	s5 =	sld [smem:$0x3FFB];
	_ =	sdelay $0x3  }
0x94: {  	_ =	strace s5  }
0x95: {  	s5 =	sld [smem:$0x3FFC];
	_ =	sdelay $0x3  }
0x96: {  	_ =	strace s5  }
0x97: {  	s5 =	sld [smem:$0x3FFD];
	_ =	sdelay $0x3  }
0x98: {  	_ =	strace s5  }
0x99: {  	_ =	strace $0x8FFFFFFF  }
0x9a: {  	s19 =	sld [smem:$0x3FDB];
	_ =	sdelay $0x1  }
0x9b: {  	s6 =	simm.s32 $_scs_section_size  }
0x9c: {  	s7 =	simm.s32 $_size__tile_overlayer_lowered;
	s8 =	simm.s32 $_tile_overlayer_lowered  }
0x9d: {  	s22 =	simm.s32 $0x1BFF;
	s21 =	sshll.u32 s8, $0x1;
	s5 =	sadd.s32 s6, s19  }
0x9e: {  	s9 =	simm.s32 $0x0;
	s20 =	sshll.u32 s7, $0x1;
	s7 =	sadd.s32 s21, s5  }
0x9f: {  	[timem:s9], [sflag:s22] =	dma.local [hbm:s7], s20  }
0xa0: {  	_ =	swait.ge [sflag:s22], s20  }
0xa1: {  	s6 =	ssub.s32 $0x0, s20;
	[sflag:s22] =	ssyncset.done $0x0  }
0xa2: {  	[sflag:s22] =	ssyncadd.s32 s6;
	_ =	sdelay $0x1  }
0xa3: {  	s23 =	simm.s32 $0x1B8B  }
0xa4: {  	_ =	swait.ge [sflag:s23], $0x1  }
0xa5: {  	[sflag:s23] =	ssyncset.done $0x0  }
0xa6: {  	s25 =	simm.s32 $0x1B8E;
	s24 =	sld [smem:$0x3FFE];
	[sflag:s23] =	ssyncadd.s32 $0xFFFFFFFF  }
0xa7: {  	s26 =	simm.s32 $execute0_lowered;
	[smem:$0x3FD2] =	sst s25  }
0xa8: {  	s7 =	sshll.u32 s26, $0x1;
	_ =	strace $0x80000046;
	[dreg:$0x1] =	wrdreg $0xFFFFFFFF  }
0xa9: {  	s28 =	simm.s32 $_size_execute0_lowered;
	s5 =	sadd.s32 s5, s7;
	[dreg:$0x0] =	wrdreg $0x0  }
0xaa: {  	s7 =	sshll.u32 s28, $0x1;
	[dreg:$0x2] =	wrdreg s5  }
0xab: {  	[dreg:$0x3] =	wrdreg s7  }
0xac: {  	[dreg:$0x4] =	wrdreg $0xC0  }
0xad: {  	_ =	task [dreg:s9], $0x5FFFF  }
0xae: {  	[dreg:$0x1] =	wrdreg $0xFFFFFFFF  }
0xaf: {  	[dreg:$0x0] =	wrdreg $0x60  }
0xb0: {  	[dreg:$0x2] =	wrdreg s4  }
0xb1: {  	[dreg:$0x3] =	wrdreg s24  }
0xb2: {  	[dreg:$0x4] =	wrdreg s2  }
0xb3: {  	[dreg:$0x5] =	wrdreg s18  }
0xb4: {  	[dreg:$0x6] =	wrdreg $0x0  }
0xb5: {  	[dreg:$0x7] =	wrdreg $0x3E800  }
0xb6: {  	[dreg:$0x8] =	wrdreg $0x9  }
0xb7: {  	_ =	task.clear_ibuf [dreg:s9], $0x9FFFF;
	_ =	strace $0x90000046  }
0xb8: {  	s29 =	simm.s32 $0x9;
	_ =	strace $0x80000048  }
0xb9: {  	_ =	swait.ge [sflag:s29], $0x1  }
0xba: {  	[sflag:s29] =	ssyncadd.s32 $0xFFFFFFFF  }
0xbb: {  	_ =	strace $0x90000048  }
0xbc: {  	_ =	sfence  }
0xbd: {  	s30 =	sld [smem:$0x0];
	_ =	sdelay $0x2  }
0xbe: {  	s31 =	sshll.u32 s1, $0xD;
	s1 =	sshrl.u32 s1, $0x2  }
0xbf: {  	s3 =	sand.u32 $0x4000, s31;
	s1 =	sadd.s32 s1, s30  }
0xc0: {  	s0 =	sor.u32 s3, s0;
	s1 =	sshll.u32 s1, $0x11  }
0xc1: {  	s0 =	sor.u32 s1, s0  }
0xc2: {  	s0 =	sadd.s32 $0x8F2B, s0  }
0xc3: {  	[sflag:s0] =	ssyncadd.remote.s32 $0x1  }
0xc4: {  	_ =	sfence.sel $0xFFFF  }
0xc5: {  	[dreg:$0x0] =	wrdreg $0xFFFFFFFF;
	(pc) =	sbr.abs _section_cstart, $3  }
0xc6: {  	[dreg:$0x1] =	wrdreg $0xFFFFFFFF  }
0xc7: {  	_ =	task.clear_ibuf [dreg:s9], $0x2FFFF;
	_ =	strace $0x9FFFFFFF  }
0xc8: {  	(tm) =	ssettm $0x7FFFFFFF  }
0xc9: {  	_ =	shalt  }
tec
execute0_lowered:
.L_overlay_start_1:
0x0: {  	(tag) =	ssettag $0x1  }
0x1: {  	s0 =	rddreg [dreg:$0x0]  }
0x2: {  	s1 =	rddreg [dreg:$0x1]  }
0x3: {  	s5 =	rddreg [dreg:$0x2]  }
0x4: {  	s6 =	rddreg [dreg:$0x3]  }
0x5: {  	s2 =	rddreg [dreg:$0x4]  }
0x6: {  	s3 =	rddreg [dreg:$0x5]  }
0x7: {  	s4 =	srdreg.scid;
	s15 =	stileid.u32;
	s29 =	simm.s32 $0x32  }
0x8: {  	s30 =	simm.s32 $0xFD00;
	s31 =	simm.s32 $0x11900;
	s7 =	sand.u32 $0x1, s4  }
0x9: {  	s4 =	simm.s32 $0x0;
	s9 =	sshll.u32 s15, $0x7;
	s28 =	sshll.u32 s15, $0xE  }
0xa: {  	s13 =	sshll.u32 s15, $0xB;
	s24 =	smul.u32 $0x38000, s15;
	p0 =	seq.s32 s15, $0xF  }
0xb: {  	s15 =	simm.s32 $0x6;
	s8 =	sshll.u32 s7, $0xB;
	[smem:$0x7FF] =	sst s4  }
0xc: {  	s10 =	ssub.s32 $0x2, s7;
	s14 =	sadd.s32 s28, s2;
	s16 =	sadd.s32 s5, s13  }
0xd: {  	s13 =	sadd.s32 s6, s13;
	s5 =	sadd.s32 $0x7800, s5;
	s6 =	sadd.s32 $0x7800, s6  }
0xe: {  	s21 =	smul.u32 $0x380000, s7;
	_ =	strace $0x80000047;
	[dreg:$0x7] =	wrdreg s16  }
0xf: {  	s7 =	simm.s32 $0x1A500;
	s8 =	sor.u32 s9, s8;
	[dreg:$0x8] =	wrdreg s13  }
0x10: {  	s12 =	sshrl.u32 s10, $0x1;
	s13 =	sadd.s32 $0x3C000, s2;
	[dreg:$0x9] =	wrdreg s5  }
0x11: {  	s5 =	sadd.s32 $0x3C000, s3;
	[dreg:$0xa] =	wrdreg s6;
	s6 =	simm.s32 $0x18900  }
0x12: {  	s9 =	sshll.u32 s8, $0x4;
	s10 =	ssub.s32 s10, s12;
	s8 =	smul.u32 $0x3800, s8  }
0x13: {  	s12 =	sadd.s32 s28, s3;
	s11 =	sadd.s32 s9, s1;
	s1 =	sadd.s32 $0x10800, s1  }
0x14: {  	s0 =	sadd.s32 s0, s9;
	s26 =	smax.u32 s10, $0x1;
	s10 =	simm.s32 $0x400  }
0x15: {  	s8 =	sshrl.u32 s8, $0x3;
	[dreg:$0xb] =	wrdreg s0;
	s16 =	sadd.s32 $0x800, s11  }
0x16: {  	[dreg:$0x15] =	wrdreg s26;
	s11 =	simm.s32 $0x4;
	s9 =	sadd.s32 s1, s8  }
0x17: {  	s26 =	simm.s32 $0x8;
	[dreg:$0xc] =	wrdreg s16;
	s17 =	sadd.s32 $0x36400, s9  }
0x18: {  	s1 =	sadd.s32 s21, s1;
	s18 =	sadd.s32 $0x36480, s9;
	[dreg:$0xd] =	wrdreg s17  }
0x19: {  	s8 =	simm.s32 $0x1C100;
	s19 =	sadd.s32 $0x36B00, s9;
	[dreg:$0xe] =	wrdreg s18  }
0x1a: {  	s21 =	simm.s32 $0x2;
	s20 =	sadd.s32 $0x36B80, s9;
	[dreg:$0xf] =	wrdreg s19  }
0x1b: {  	s16 =	simm.s32 $0x7;
	s22 =	sadd.s32 $0x37200, s9;
	[dreg:$0x10] =	wrdreg s20  }
0x1c: {  	s23 =	sadd.s32 $0x37280, s9;
	s25 =	sadd.s32 $0x37900, s9;
	[dreg:$0x11] =	wrdreg s22  }
0x1d: {  	s0 =	sadd.s32 $0x37980, s9;
	s28 =	sadd.s32 s24, s1;
	[dreg:$0x12] =	wrdreg s23  }
0x1e: {  	s1 =	simm.s32 $0x15100;
	s9 =	simm.s32 $0x1;
	[dreg:$0x13] =	wrdreg s25  }
0x1f: {  	[dreg:$0x14] =	wrdreg s0;
	s0 =	sadd.s32 $0x1580, s28;
	s19 =	simm.s32 $0x800  }
0x20: {  	s22 =	simm.s32 $0x3;
	s17 =	simm.s32 $0x1BD00;
	s18 =	simm.s32 $0x1D900  }
0x21: {  	s23 =	simm.s32 $0x0;
	[dreg:$0x16] =	wrdreg s0;
	s0 =	sshrl.u32 @p0 s13, $0x3  }
0x22: {  	s13 =	simm.s32 $0x18500;
	[dreg:$0x17] =	wrdreg s0;
	s0 =	sshrl.u32 @p0 s5, $0x3  }
0x23: {  	s5 =	simm.s32 $0x16D00;
	[dreg:$0x18] =	wrdreg s0;
	s0 =	sshrl.u32 @!p0 s14, $0x3  }
0x24: {  	s14 =	simm.s32 $0x1A100;
	[dreg:$0x19] =	wrdreg s0;
	s0 =	sshrl.u32 @!p0 s12, $0x3  }
0x25: {  	s12 =	simm.s32 $0x5;
	[dreg:$0x1a] =	wrdreg s0;
	s0 =	simm.s32 $0x13500  }
.LBB2_1:
0x26: {  	[dreg:$0x1b] =	wrdreg s23  }
0x27: {  	s23 =	rddreg [dreg:$0x9]  }
0x28: {  	s20 =	simm.s32 @p0 $0x1FC9;
	s25 =	rddreg [dreg:$0x17]  }
0x29: {  	[spmem:s25], [sflag:s20] =	dma.local @p0 [hbm:s23], $0x500  }
0x2a: {  	s25 =	simm.s32 @p0 $0x9  }
0x2b: {  	_ =	swait.ge @p0 [sflag:s25], $0x500  }
0x2c: {  	[sflag:s25] =	ssyncset.done @p0 $0x0;
	s23 =	rddreg [dreg:$0xa]  }
0x2d: {  	s28 =	rddreg [dreg:$0x18];
	[sflag:s25] =	ssyncadd.s32 @p0 $0xFFFFFB00  }
0x2e: {  	[spmem:s28], [sflag:s20] =	dma.local @p0 [hbm:s23], $0x500  }
0x2f: {  	s20 =	stileid.u32;
	_ =	swait.ge @p0 [sflag:s25], $0x500  }
0x30: {  	s20 =	sshll.u32 @!p0 s20, $0x6;
	[sflag:s25] =	ssyncset.done @p0 $0x0;
	s23 =	rddreg [dreg:$0x7]  }
0x31: {  	s20 =	sor.u32 @!p0 $0x1C09, s20;
	[sflag:s25] =	ssyncadd.s32 @p0 $0xFFFFFB00;
	s25 =	rddreg [dreg:$0x19]  }
0x32: {  	[spmem:s25], [sflag:s20] =	dma.local @!p0 [hbm:s23], $0x800  }
0x33: {  	s25 =	simm.s32 @!p0 $0x9  }
0x34: {  	_ =	swait.ge @!p0 [sflag:s25], $0x800  }
0x35: {  	[sflag:s25] =	ssyncset.done @!p0 $0x0;
	s23 =	rddreg [dreg:$0x8]  }
0x36: {  	s28 =	rddreg [dreg:$0x1a];
	[sflag:s25] =	ssyncadd.s32 @!p0 $0xFFFFF800  }
0x37: {  	[spmem:s28], [sflag:s20] =	dma.local @!p0 [hbm:s23], $0x800  }
0x38: {  	_ =	swait.ge @!p0 [sflag:s25], $0x800  }
0x39: {  	[sflag:s25] =	ssyncset.done @!p0 $0x0  }
0x3a: {  	s23 =	simm.s32 $0x7D00;
	[sflag:s25] =	ssyncadd.s32 @!p0 $0xFFFFF800;
	s25 =	rddreg [dreg:$0xb]  }
0x3b: {  	[tilespmem:s23], [sflag:$0x9] =	stream.linear.gather [hbm4b:s25+s4], $0x4000, $0x38;
	[tilespmem:$0x1DD00] =	vst v63  }
0x3c: {  	s25 =	simm.s32 $0x9  }
0x3d: {  	_ =	swait.ge [sflag:s25], $0x4000  }
0x3e: {  	[sflag:s25] =	ssyncset.done $0x0  }
0x3f: {  	s28 =	simm.s32 $0xBD00;
	s24 =	rddreg [dreg:$0xc];
	[sflag:s25] =	ssyncadd.s32 $0xFFFFC000  }
0x40: {  	[tilespmem:s28], [sflag:$0x9] =	stream.linear.gather [hbm4b:s24+s4], $0x4000, $0x38;
	[tilespmem:$0x1DD00] =	vst v63  }
0x41: {  	_ =	swait.ge [sflag:s25], $0x4000  }
0x42: {  	[sflag:s25] =	ssyncset.done $0x0  }
0x43: {  	[sflag:s25] =	ssyncadd.s32 $0xFFFFC000  }
0x44: {  	[bflag:$0x0] =	sbarrier.arrive $0xFFFF  }
0x45: {  	[tilespmem:s30], [sflag:$0x1] =	stream.indirect.gather [spmem:s2], $0x80, s23, s29, $0xb8;
	[tilespmem:$0x1DD00] =	vst v63  }
0x46: {  	_ = 	snop  }
0x47: {  	[tilespmem:s31], [sflag:$0x1] =	stream.indirect.gather [spmem:s3], $0x80, s28, s29, $0xb8;
	[tilespmem:$0x1DD00] =	vst v63  }
0x48: {  	s24 =	simm.s32 $0x7D80  }
0x49: {  	[tilespmem:s0], [sflag:$0x3] =	stream.indirect.gather [spmem:s2], $0x80, s24, s29, $0xb8;
	[tilespmem:$0x1DD00] =	vst v63  }
0x4a: {  	s25 =	simm.s32 $0xBD80  }
0x4b: {  	[tilespmem:s1], [sflag:$0x3] =	stream.indirect.gather [spmem:s3], $0x80, s25, s29, $0xb8;
	[tilespmem:$0x1DD00] =	vst v63  }
0x4c: {  	s23 =	simm.s32 $0x7E00  }
0x4d: {  	[tilespmem:s5], [sflag:$0x5] =	stream.indirect.gather [spmem:s2], $0x80, s23, s29, $0xb8;
	[tilespmem:$0x1DD00] =	vst v63  }
0x4e: {  	s24 =	simm.s32 $0xBE00  }
0x4f: {  	[tilespmem:s6], [sflag:$0x5] =	stream.indirect.gather [spmem:s3], $0x80, s24, s29, $0xb8;
	[tilespmem:$0x1DD00] =	vst v63  }
0x50: {  	s25 =	simm.s32 $0x7E80  }
0x51: {  	[tilespmem:s7], [sflag:$0x7] =	stream.indirect.gather [spmem:s2], $0x80, s25, s29, $0xb8;
	[tilespmem:$0x1DD00] =	vst v63  }
0x52: {  	s23 =	simm.s32 $0xBE80  }
0x53: {  	[tilespmem:s8], [sflag:$0x7] =	stream.indirect.gather [spmem:s3], $0x80, s23, s29, $0xb8;
	[tilespmem:$0x1DD00] =	vst v63  }
0x54: {  	_ =	swait.ge [sflag:s9], $0x1900  }
0x55: {  	[sflag:s9] =	ssyncset.done $0x0  }
0x56: {  	[sflag:s9] =	ssyncadd.s32 $0xFFFFE700  }
0x57: {  	_ =	swait.ge [sflag:s9], $0x1900  }
0x58: {  	[sflag:s9] =	ssyncset.done $0x0;
	s23 =	rddreg [dreg:$0x16]  }
0x59: {  	[sflag:s9] =	ssyncadd.s32 $0xFFFFE700;
	s24 =	sadd.s32 $0xFFFFEA80, s23  }
0x5a: {  	[hbm4b:s24+s10] =	stream.strided.scatter [tilespmem:s30], [sflag:$0x2], $0x1800, s19, s10, $0x38;
	[tilespmem:$0x1DD00] =	vst v63  }
0x5b: {  	s25 =	sadd.s32 $0xFFFFF080, s23;
	s24 =	simm.s32 $0x11500  }
0x5c: {  	[hbm4b:s25+s4] =	stream.linear.scatter [tilespmem:s24], [sflag:$0x2], $0x100, $0x38;
	[tilespmem:$0x1DD00] =	vst v63  }
0x5d: {  	s25 =	sadd.s32 $0xFFFFEB00, s23  }
0x5e: {  	[hbm4b:s25+s10] =	stream.strided.scatter [tilespmem:s31], [sflag:$0x2], $0x1800, s19, s10, $0x38;
	[tilespmem:$0x1DD00] =	vst v63  }
0x5f: {  	s24 =	sadd.s32 $0xFFFFF100, s23;
	s25 =	simm.s32 $0x13100  }
0x60: {  	[hbm4b:s24+s4] =	stream.linear.scatter [tilespmem:s25], [sflag:$0x2], $0x100, $0x38;
	[tilespmem:$0x1DD00] =	vst v63  }
0x61: {  	_ =	swait.ge [sflag:s21], $0x1900  }
0x62: {  	[sflag:s21] =	ssyncset.done $0x0  }
0x63: {  	[sflag:s21] =	ssyncadd.s32 $0xFFFFE700  }
0x64: {  	_ =	swait.ge [sflag:s21], $0x1900  }
0x65: {  	[sflag:s21] =	ssyncset.done $0x0  }
0x66: {  	s25 =	simm.s32 $0x7F00;
	[sflag:s21] =	ssyncadd.s32 $0xFFFFE700  }
0x67: {  	[tilespmem:s30], [sflag:$0x1] =	stream.indirect.gather [spmem:s2], $0x80, s25, s29, $0xb8;
	[tilespmem:$0x1DD00] =	vst v63  }
0x68: {  	s24 =	simm.s32 $0xBF00  }
0x69: {  	[tilespmem:s31], [sflag:$0x1] =	stream.indirect.gather [spmem:s3], $0x80, s24, s29, $0xb8;
	[tilespmem:$0x1DD00] =	vst v63  }
0x6a: {  	_ =	swait.ge [sflag:s22], $0x1900  }
0x6b: {  	[sflag:s22] =	ssyncset.done $0x0  }
0x6c: {  	[sflag:s22] =	ssyncadd.s32 $0xFFFFE700  }
0x6d: {  	_ =	swait.ge [sflag:s22], $0x1900  }
0x6e: {  	[sflag:s22] =	ssyncset.done $0x0  }
0x6f: {  	s25 =	sadd.s32 $0xFFFFF180, s23;
	[sflag:s22] =	ssyncadd.s32 $0xFFFFE700  }
0x70: {  	[hbm4b:s25+s10] =	stream.strided.scatter [tilespmem:s0], [sflag:$0x4], $0x1800, s19, s10, $0x38;
	[tilespmem:$0x1DD00] =	vst v63  }
0x71: {  	s24 =	sadd.s32 $0xFFFFF780, s23;
	s25 =	simm.s32 $0x14D00  }
0x72: {  	[hbm4b:s24+s4] =	stream.linear.scatter [tilespmem:s25], [sflag:$0x4], $0x100, $0x38;
	[tilespmem:$0x1DD00] =	vst v63  }
0x73: {  	s25 =	sadd.s32 $0xFFFFF200, s23  }
0x74: {  	[hbm4b:s25+s10] =	stream.strided.scatter [tilespmem:s1], [sflag:$0x4], $0x1800, s19, s10, $0x38;
	[tilespmem:$0x1DD00] =	vst v63  }
0x75: {  	s24 =	sadd.s32 $0xFFFFF800, s23;
	s25 =	simm.s32 $0x16900  }
0x76: {  	[hbm4b:s24+s4] =	stream.linear.scatter [tilespmem:s25], [sflag:$0x4], $0x100, $0x38;
	[tilespmem:$0x1DD00] =	vst v63  }
0x77: {  	_ =	swait.ge [sflag:s11], $0x1900  }
0x78: {  	[sflag:s11] =	ssyncset.done $0x0  }
0x79: {  	[sflag:s11] =	ssyncadd.s32 $0xFFFFE700  }
0x7a: {  	_ =	swait.ge [sflag:s11], $0x1900  }
0x7b: {  	[sflag:s11] =	ssyncset.done $0x0  }
0x7c: {  	s24 =	simm.s32 $0x7F80;
	[sflag:s11] =	ssyncadd.s32 $0xFFFFE700  }
0x7d: {  	[tilespmem:s0], [sflag:$0x3] =	stream.indirect.gather [spmem:s2], $0x80, s24, s29, $0xb8;
	[tilespmem:$0x1DD00] =	vst v63  }
0x7e: {  	s25 =	simm.s32 $0xBF80  }
0x7f: {  	[tilespmem:s1], [sflag:$0x3] =	stream.indirect.gather [spmem:s3], $0x80, s25, s29, $0xb8;
	[tilespmem:$0x1DD00] =	vst v63  }
0x80: {  	_ =	swait.ge [sflag:s12], $0x1900  }
0x81: {  	[sflag:s12] =	ssyncset.done $0x0  }
0x82: {  	[sflag:s12] =	ssyncadd.s32 $0xFFFFE700  }
0x83: {  	_ =	swait.ge [sflag:s12], $0x1900  }
0x84: {  	[sflag:s12] =	ssyncset.done $0x0  }
0x85: {  	s24 =	sadd.s32 $0xFFFFF880, s23;
	[sflag:s12] =	ssyncadd.s32 $0xFFFFE700  }
0x86: {  	[hbm4b:s24+s10] =	stream.strided.scatter [tilespmem:s5], [sflag:$0x6], $0x1800, s19, s10, $0x38;
	[tilespmem:$0x1DD00] =	vst v63  }
0x87: {  	s25 =	sadd.s32 $0xFFFFFE80, s23  }
0x88: {  	[hbm4b:s25+s4] =	stream.linear.scatter [tilespmem:s13], [sflag:$0x6], $0x100, $0x38;
	[tilespmem:$0x1DD00] =	vst v63  }
0x89: {  	s24 =	sadd.s32 $0xFFFFF900, s23  }
0x8a: {  	[hbm4b:s24+s10] =	stream.strided.scatter [tilespmem:s6], [sflag:$0x6], $0x1800, s19, s10, $0x38;
	[tilespmem:$0x1DD00] =	vst v63  }
0x8b: {  	s25 =	sadd.s32 $0xFFFFFF00, s23  }
0x8c: {  	[hbm4b:s25+s4] =	stream.linear.scatter [tilespmem:s14], [sflag:$0x6], $0x100, $0x38;
	[tilespmem:$0x1DD00] =	vst v63  }
0x8d: {  	_ =	swait.ge [sflag:s15], $0x1900  }
0x8e: {  	[sflag:s15] =	ssyncset.done $0x0  }
0x8f: {  	[sflag:s15] =	ssyncadd.s32 $0xFFFFE700  }
0x90: {  	_ =	swait.ge [sflag:s15], $0x1900  }
0x91: {  	[sflag:s15] =	ssyncset.done $0x0  }
0x92: {  	s24 =	simm.s32 $0x8000;
	[sflag:s15] =	ssyncadd.s32 $0xFFFFE700  }
0x93: {  	[tilespmem:s5], [sflag:$0x5] =	stream.indirect.gather [spmem:s2], $0x80, s24, s29, $0xb8;
	[tilespmem:$0x1DD00] =	vst v63  }
0x94: {  	s25 =	simm.s32 $0xC000  }
0x95: {  	[tilespmem:s6], [sflag:$0x5] =	stream.indirect.gather [spmem:s3], $0x80, s25, s29, $0xb8;
	[tilespmem:$0x1DD00] =	vst v63  }
0x96: {  	_ =	swait.ge [sflag:s16], $0x1900  }
0x97: {  	[sflag:s16] =	ssyncset.done $0x0  }
0x98: {  	[sflag:s16] =	ssyncadd.s32 $0xFFFFE700  }
0x99: {  	_ =	swait.ge [sflag:s16], $0x1900  }
0x9a: {  	[sflag:s16] =	ssyncset.done $0x0  }
0x9b: {  	s24 =	sadd.s32 $0xFFFFFF80, s23;
	[sflag:s16] =	ssyncadd.s32 $0xFFFFE700  }
0x9c: {  	[hbm4b:s24+s10] =	stream.strided.scatter [tilespmem:s7], [sflag:$0x8], $0x1800, s19, s10, $0x38;
	[tilespmem:$0x1DD00] =	vst v63  }
0x9d: {  	s25 =	sadd.s32 $0x580, s23  }
0x9e: {  	[hbm4b:s25+s4] =	stream.linear.scatter [tilespmem:s17], [sflag:$0x8], $0x100, $0x38;
	[tilespmem:$0x1DD00] =	vst v63  }
0x9f: {  	_ = 	snop  }
0xa0: {  	[hbm4b:s23+s10] =	stream.strided.scatter [tilespmem:s8], [sflag:$0x8], $0x1800, s19, s10, $0x38;
	[tilespmem:$0x1DD00] =	vst v63  }
0xa1: {  	s24 =	sadd.s32 $0x600, s23  }
0xa2: {  	[hbm4b:s24+s4] =	stream.linear.scatter [tilespmem:s18], [sflag:$0x8], $0x100, $0x38;
	[tilespmem:$0x1DD00] =	vst v63  }
0xa3: {  	_ =	swait.ge [sflag:s26], $0x1900  }
0xa4: {  	[sflag:s26] =	ssyncset.done $0x0  }
0xa5: {  	[sflag:s26] =	ssyncadd.s32 $0xFFFFE700  }
0xa6: {  	_ =	swait.ge [sflag:s26], $0x1900  }
0xa7: {  	[sflag:s26] =	ssyncset.done $0x0  }
0xa8: {  	s25 =	simm.s32 $0x8080;
	[sflag:s26] =	ssyncadd.s32 $0xFFFFE700  }
0xa9: {  	[tilespmem:s7], [sflag:$0x7] =	stream.indirect.gather [spmem:s2], $0x80, s25, s29, $0xb8;
	[tilespmem:$0x1DD00] =	vst v63  }
0xaa: {  	s20 =	simm.s32 $0x800;
	s28 =	simm.s32 $0xC080;
	s25 =	sadd.s32 $0x1C00, s23  }
.LBB2_2:
0xab: {  	[tilespmem:s8], [sflag:$0x7] =	stream.indirect.gather [spmem:s3], $0x80, s28, s29, $0xb8;
	[tilespmem:$0x1DD00] =	vst v63  }
0xac: {  	s28 =	smov.u32 s20  }
0xad: {  	p1 =	sne.s32 s20, $0xF000;
	s20 =	sadd.s32 $0x800, s20;
	_ =	swait.ge [sflag:s9], $0x1900  }
0xae: {  	[sflag:s9] =	ssyncset.done $0x0  }
0xaf: {  	[sflag:s9] =	ssyncadd.s32 $0xFFFFE700  }
0xb0: {  	_ =	swait.ge [sflag:s9], $0x1900  }
0xb1: {  	[sflag:s9] =	ssyncset.done $0x0  }
0xb2: {  	s23 =	sadd.s32 $0xFFFFEA80, s25;
	[sflag:s9] =	ssyncadd.s32 $0xFFFFE700  }
0xb3: {  	[hbm4b:s23+s10] =	stream.strided.scatter [tilespmem:s30], [sflag:$0x2], $0x1800, s19, s10, $0x38;
	[tilespmem:$0x1DD00] =	vst v63  }
0xb4: {  	s24 =	simm.s32 $0x11500;
	s23 =	sadd.s32 $0xFFFFF080, s25  }
0xb5: {  	[hbm4b:s23+s4] =	stream.linear.scatter [tilespmem:s24], [sflag:$0x2], $0x100, $0x38;
	[tilespmem:$0x1DD00] =	vst v63  }
0xb6: {  	s23 =	sadd.s32 $0xFFFFEB00, s25  }
0xb7: {  	[hbm4b:s23+s10] =	stream.strided.scatter [tilespmem:s31], [sflag:$0x2], $0x1800, s19, s10, $0x38;
	[tilespmem:$0x1DD00] =	vst v63  }
0xb8: {  	s24 =	simm.s32 $0x13100;
	s23 =	sadd.s32 $0xFFFFF100, s25  }
0xb9: {  	[hbm4b:s23+s4] =	stream.linear.scatter [tilespmem:s24], [sflag:$0x2], $0x100, $0x38;
	[tilespmem:$0x1DD00] =	vst v63  }
0xba: {  	_ =	swait.ge [sflag:s21], $0x1900  }
0xbb: {  	[sflag:s21] =	ssyncset.done $0x0  }
0xbc: {  	[sflag:s21] =	ssyncadd.s32 $0xFFFFE700  }
0xbd: {  	_ =	swait.ge [sflag:s21], $0x1900  }
0xbe: {  	s28 =	sshra.s32 s28, $0x2;
	[sflag:s21] =	ssyncset.done $0x0  }
0xbf: {  	s23 =	sadd.s32 $0x7F00, s28;
	[sflag:s21] =	ssyncadd.s32 $0xFFFFE700  }
0xc0: {  	[tilespmem:s30], [sflag:$0x1] =	stream.indirect.gather [spmem:s2], $0x80, s23, s29, $0xb8;
	[tilespmem:$0x1DD00] =	vst v63  }
0xc1: {  	s23 =	sadd.s32 $0xBF00, s28  }
0xc2: {  	[tilespmem:s31], [sflag:$0x1] =	stream.indirect.gather [spmem:s3], $0x80, s23, s29, $0xb8;
	[tilespmem:$0x1DD00] =	vst v63  }
0xc3: {  	_ =	swait.ge [sflag:s22], $0x1900  }
0xc4: {  	[sflag:s22] =	ssyncset.done $0x0  }
0xc5: {  	[sflag:s22] =	ssyncadd.s32 $0xFFFFE700  }
0xc6: {  	_ =	swait.ge [sflag:s22], $0x1900  }
0xc7: {  	[sflag:s22] =	ssyncset.done $0x0  }
0xc8: {  	s23 =	sadd.s32 $0xFFFFF180, s25;
	[sflag:s22] =	ssyncadd.s32 $0xFFFFE700  }
0xc9: {  	[hbm4b:s23+s10] =	stream.strided.scatter [tilespmem:s0], [sflag:$0x4], $0x1800, s19, s10, $0x38;
	[tilespmem:$0x1DD00] =	vst v63  }
0xca: {  	s24 =	simm.s32 $0x14D00;
	s23 =	sadd.s32 $0xFFFFF780, s25  }
0xcb: {  	[hbm4b:s23+s4] =	stream.linear.scatter [tilespmem:s24], [sflag:$0x4], $0x100, $0x38;
	[tilespmem:$0x1DD00] =	vst v63  }
0xcc: {  	s23 =	sadd.s32 $0xFFFFF200, s25  }
0xcd: {  	[hbm4b:s23+s10] =	stream.strided.scatter [tilespmem:s1], [sflag:$0x4], $0x1800, s19, s10, $0x38;
	[tilespmem:$0x1DD00] =	vst v63  }
0xce: {  	s24 =	simm.s32 $0x16900;
	s23 =	sadd.s32 $0xFFFFF800, s25  }
0xcf: {  	[hbm4b:s23+s4] =	stream.linear.scatter [tilespmem:s24], [sflag:$0x4], $0x100, $0x38;
	[tilespmem:$0x1DD00] =	vst v63  }
0xd0: {  	_ =	swait.ge [sflag:s11], $0x1900  }
0xd1: {  	[sflag:s11] =	ssyncset.done $0x0  }
0xd2: {  	[sflag:s11] =	ssyncadd.s32 $0xFFFFE700  }
0xd3: {  	_ =	swait.ge [sflag:s11], $0x1900  }
0xd4: {  	[sflag:s11] =	ssyncset.done $0x0  }
0xd5: {  	s23 =	sadd.s32 $0x7F80, s28;
	[sflag:s11] =	ssyncadd.s32 $0xFFFFE700  }
0xd6: {  	[tilespmem:s0], [sflag:$0x3] =	stream.indirect.gather [spmem:s2], $0x80, s23, s29, $0xb8;
	[tilespmem:$0x1DD00] =	vst v63  }
0xd7: {  	s23 =	sadd.s32 $0xBF80, s28  }
0xd8: {  	[tilespmem:s1], [sflag:$0x3] =	stream.indirect.gather [spmem:s3], $0x80, s23, s29, $0xb8;
	[tilespmem:$0x1DD00] =	vst v63  }
0xd9: {  	_ =	swait.ge [sflag:s12], $0x1900  }
0xda: {  	[sflag:s12] =	ssyncset.done $0x0  }
0xdb: {  	[sflag:s12] =	ssyncadd.s32 $0xFFFFE700  }
0xdc: {  	_ =	swait.ge [sflag:s12], $0x1900  }
0xdd: {  	[sflag:s12] =	ssyncset.done $0x0  }
0xde: {  	s23 =	sadd.s32 $0xFFFFF880, s25;
	[sflag:s12] =	ssyncadd.s32 $0xFFFFE700  }
0xdf: {  	[hbm4b:s23+s10] =	stream.strided.scatter [tilespmem:s5], [sflag:$0x6], $0x1800, s19, s10, $0x38;
	[tilespmem:$0x1DD00] =	vst v63  }
0xe0: {  	s23 =	sadd.s32 $0xFFFFFE80, s25  }
0xe1: {  	[hbm4b:s23+s4] =	stream.linear.scatter [tilespmem:s13], [sflag:$0x6], $0x100, $0x38;
	[tilespmem:$0x1DD00] =	vst v63  }
0xe2: {  	s23 =	sadd.s32 $0xFFFFF900, s25  }
0xe3: {  	[hbm4b:s23+s10] =	stream.strided.scatter [tilespmem:s6], [sflag:$0x6], $0x1800, s19, s10, $0x38;
	[tilespmem:$0x1DD00] =	vst v63  }
0xe4: {  	s23 =	sadd.s32 $0xFFFFFF00, s25  }
0xe5: {  	[hbm4b:s23+s4] =	stream.linear.scatter [tilespmem:s14], [sflag:$0x6], $0x100, $0x38;
	[tilespmem:$0x1DD00] =	vst v63  }
0xe6: {  	_ =	swait.ge [sflag:s15], $0x1900  }
0xe7: {  	[sflag:s15] =	ssyncset.done $0x0  }
0xe8: {  	[sflag:s15] =	ssyncadd.s32 $0xFFFFE700  }
0xe9: {  	_ =	swait.ge [sflag:s15], $0x1900  }
0xea: {  	[sflag:s15] =	ssyncset.done $0x0  }
0xeb: {  	s23 =	sadd.s32 $0x8000, s28;
	[sflag:s15] =	ssyncadd.s32 $0xFFFFE700  }
0xec: {  	[tilespmem:s5], [sflag:$0x5] =	stream.indirect.gather [spmem:s2], $0x80, s23, s29, $0xb8;
	[tilespmem:$0x1DD00] =	vst v63  }
0xed: {  	s23 =	sadd.s32 $0xC000, s28  }
0xee: {  	[tilespmem:s6], [sflag:$0x5] =	stream.indirect.gather [spmem:s3], $0x80, s23, s29, $0xb8;
	[tilespmem:$0x1DD00] =	vst v63  }
0xef: {  	_ =	swait.ge [sflag:s16], $0x1900  }
0xf0: {  	[sflag:s16] =	ssyncset.done $0x0  }
0xf1: {  	[sflag:s16] =	ssyncadd.s32 $0xFFFFE700  }
0xf2: {  	_ =	swait.ge [sflag:s16], $0x1900  }
0xf3: {  	[sflag:s16] =	ssyncset.done $0x0  }
0xf4: {  	s23 =	sadd.s32 $0xFFFFFF80, s25;
	[sflag:s16] =	ssyncadd.s32 $0xFFFFE700  }
0xf5: {  	[hbm4b:s23+s10] =	stream.strided.scatter [tilespmem:s7], [sflag:$0x8], $0x1800, s19, s10, $0x38;
	[tilespmem:$0x1DD00] =	vst v63  }
0xf6: {  	s23 =	sadd.s32 $0x580, s25  }
0xf7: {  	[hbm4b:s23+s4] =	stream.linear.scatter [tilespmem:s17], [sflag:$0x8], $0x100, $0x38;
	[tilespmem:$0x1DD00] =	vst v63  }
0xf8: {  	_ = 	snop  }
0xf9: {  	[hbm4b:s25+s10] =	stream.strided.scatter [tilespmem:s8], [sflag:$0x8], $0x1800, s19, s10, $0x38;
	[tilespmem:$0x1DD00] =	vst v63  }
0xfa: {  	s23 =	sadd.s32 $0x600, s25  }
0xfb: {  	[hbm4b:s23+s4] =	stream.linear.scatter [tilespmem:s18], [sflag:$0x8], $0x100, $0x38;
	[tilespmem:$0x1DD00] =	vst v63  }
0xfc: {  	_ =	swait.ge [sflag:s26], $0x1900  }
0xfd: {  	[sflag:s26] =	ssyncset.done $0x0  }
0xfe: {  	[sflag:s26] =	ssyncadd.s32 $0xFFFFE700  }
.Ltmp0:
0xff: {  	_ =	swait.ge [sflag:s26], $0x1900;
	(pc) =	sbr.rel @p1 .LBB2_2-.Ltmp0, $4  }
0x100: {  	[sflag:s26] =	ssyncset.done $0x0  }
0x101: {  	s23 =	sadd.s32 $0x8080, s28;
	[sflag:s26] =	ssyncadd.s32 $0xFFFFE700  }
0x102: {  	[tilespmem:s7], [sflag:$0x7] =	stream.indirect.gather [spmem:s2], $0x80, s23, s29, $0xb8;
	[tilespmem:$0x1DD00] =	vst v63  }
0x103: {  	s25 =	sadd.s32 $0x1C00, s25;
	s28 =	sadd.s32 $0xC080, s28  }
0x104: {  	[tilespmem:s8], [sflag:$0x7] =	stream.indirect.gather [spmem:s3], $0x80, s28, s29, $0xb8;
	[tilespmem:$0x1DD00] =	vst v63  }
0x105: {  	_ =	swait.ge [sflag:s9], $0x1900  }
0x106: {  	[sflag:s9] =	ssyncset.done $0x0  }
0x107: {  	[sflag:s9] =	ssyncadd.s32 $0xFFFFE700  }
0x108: {  	_ =	swait.ge [sflag:s9], $0x1900  }
0x109: {  	[sflag:s9] =	ssyncset.done $0x0  }
0x10a: {  	s20 =	rddreg [dreg:$0xd];
	[sflag:s9] =	ssyncadd.s32 $0xFFFFE700  }
0x10b: {  	[hbm4b:s20+s10] =	stream.strided.scatter [tilespmem:s30], [sflag:$0x2], $0x1800, s19, s10, $0x38;
	[tilespmem:$0x1DD00] =	vst v63  }
0x10c: {  	s23 =	simm.s32 $0x11500;
	s20 =	sadd.s32 $0x600, s20  }
0x10d: {  	[hbm4b:s20+s4] =	stream.linear.scatter [tilespmem:s23], [sflag:$0x2], $0x100, $0x38;
	[tilespmem:$0x1DD00] =	vst v63  }
0x10e: {  	s23 =	rddreg [dreg:$0xe]  }
0x10f: {  	[hbm4b:s23+s10] =	stream.strided.scatter [tilespmem:s31], [sflag:$0x2], $0x1800, s19, s10, $0x38;
	[tilespmem:$0x1DD00] =	vst v63  }
0x110: {  	s24 =	simm.s32 $0x13100;
	s20 =	sadd.s32 $0x600, s23  }
0x111: {  	[hbm4b:s20+s4] =	stream.linear.scatter [tilespmem:s24], [sflag:$0x2], $0x100, $0x38;
	[tilespmem:$0x1DD00] =	vst v63  }
0x112: {  	_ =	swait.ge [sflag:s21], $0x1900  }
0x113: {  	[sflag:s21] =	ssyncset.done $0x0  }
0x114: {  	[sflag:s21] =	ssyncadd.s32 $0xFFFFE700  }
0x115: {  	_ =	swait.ge [sflag:s21], $0x1900  }
0x116: {  	[sflag:s21] =	ssyncset.done $0x0  }
0x117: {  	[sflag:s21] =	ssyncadd.s32 $0xFFFFE700  }
0x118: {  	_ =	swait.ge [sflag:s22], $0x1900  }
0x119: {  	[sflag:s22] =	ssyncset.done $0x0  }
0x11a: {  	[sflag:s22] =	ssyncadd.s32 $0xFFFFE700  }
0x11b: {  	_ =	swait.ge [sflag:s22], $0x1900  }
0x11c: {  	[sflag:s22] =	ssyncset.done $0x0  }
0x11d: {  	s25 =	rddreg [dreg:$0xf];
	[sflag:s22] =	ssyncadd.s32 $0xFFFFE700  }
0x11e: {  	[hbm4b:s25+s10] =	stream.strided.scatter [tilespmem:s0], [sflag:$0x4], $0x1800, s19, s10, $0x38;
	[tilespmem:$0x1DD00] =	vst v63  }
0x11f: {  	s28 =	simm.s32 $0x14D00;
	s20 =	sadd.s32 $0x600, s25  }
0x120: {  	[hbm4b:s20+s4] =	stream.linear.scatter [tilespmem:s28], [sflag:$0x4], $0x100, $0x38;
	[tilespmem:$0x1DD00] =	vst v63  }
0x121: {  	s23 =	rddreg [dreg:$0x10]  }
0x122: {  	[hbm4b:s23+s10] =	stream.strided.scatter [tilespmem:s1], [sflag:$0x4], $0x1800, s19, s10, $0x38;
	[tilespmem:$0x1DD00] =	vst v63  }
0x123: {  	s24 =	simm.s32 $0x16900;
	s20 =	sadd.s32 $0x600, s23  }
0x124: {  	[hbm4b:s20+s4] =	stream.linear.scatter [tilespmem:s24], [sflag:$0x4], $0x100, $0x38;
	[tilespmem:$0x1DD00] =	vst v63  }
0x125: {  	_ =	swait.ge [sflag:s11], $0x1900  }
0x126: {  	[sflag:s11] =	ssyncset.done $0x0  }
0x127: {  	[sflag:s11] =	ssyncadd.s32 $0xFFFFE700  }
0x128: {  	_ =	swait.ge [sflag:s11], $0x1900  }
0x129: {  	[sflag:s11] =	ssyncset.done $0x0  }
0x12a: {  	[sflag:s11] =	ssyncadd.s32 $0xFFFFE700  }
0x12b: {  	_ =	swait.ge [sflag:s12], $0x1900  }
0x12c: {  	[sflag:s12] =	ssyncset.done $0x0  }
0x12d: {  	[sflag:s12] =	ssyncadd.s32 $0xFFFFE700  }
0x12e: {  	_ =	swait.ge [sflag:s12], $0x1900  }
0x12f: {  	[sflag:s12] =	ssyncset.done $0x0  }
0x130: {  	s25 =	rddreg [dreg:$0x11];
	[sflag:s12] =	ssyncadd.s32 $0xFFFFE700  }
0x131: {  	[hbm4b:s25+s10] =	stream.strided.scatter [tilespmem:s5], [sflag:$0x6], $0x1800, s19, s10, $0x38;
	[tilespmem:$0x1DD00] =	vst v63  }
0x132: {  	s20 =	sadd.s32 $0x600, s25  }
0x133: {  	[hbm4b:s20+s4] =	stream.linear.scatter [tilespmem:s13], [sflag:$0x6], $0x100, $0x38;
	[tilespmem:$0x1DD00] =	vst v63  }
0x134: {  	s28 =	rddreg [dreg:$0x12]  }
0x135: {  	[hbm4b:s28+s10] =	stream.strided.scatter [tilespmem:s6], [sflag:$0x6], $0x1800, s19, s10, $0x38;
	[tilespmem:$0x1DD00] =	vst v63  }
0x136: {  	s20 =	sadd.s32 $0x600, s28  }
0x137: {  	[hbm4b:s20+s4] =	stream.linear.scatter [tilespmem:s14], [sflag:$0x6], $0x100, $0x38;
	[tilespmem:$0x1DD00] =	vst v63  }
0x138: {  	_ =	swait.ge [sflag:s15], $0x1900  }
0x139: {  	[sflag:s15] =	ssyncset.done $0x0  }
0x13a: {  	[sflag:s15] =	ssyncadd.s32 $0xFFFFE700  }
0x13b: {  	_ =	swait.ge [sflag:s15], $0x1900  }
0x13c: {  	[sflag:s15] =	ssyncset.done $0x0  }
0x13d: {  	[sflag:s15] =	ssyncadd.s32 $0xFFFFE700  }
0x13e: {  	_ =	swait.ge [sflag:s16], $0x1900  }
0x13f: {  	[sflag:s16] =	ssyncset.done $0x0  }
0x140: {  	[sflag:s16] =	ssyncadd.s32 $0xFFFFE700  }
0x141: {  	_ =	swait.ge [sflag:s16], $0x1900  }
0x142: {  	[sflag:s16] =	ssyncset.done $0x0  }
0x143: {  	s23 =	rddreg [dreg:$0x13];
	[sflag:s16] =	ssyncadd.s32 $0xFFFFE700  }
0x144: {  	[hbm4b:s23+s10] =	stream.strided.scatter [tilespmem:s7], [sflag:$0x8], $0x1800, s19, s10, $0x38;
	[tilespmem:$0x1DD00] =	vst v63  }
0x145: {  	s20 =	sadd.s32 $0x600, s23  }
0x146: {  	[hbm4b:s20+s4] =	stream.linear.scatter [tilespmem:s17], [sflag:$0x8], $0x100, $0x38;
	[tilespmem:$0x1DD00] =	vst v63  }
0x147: {  	s24 =	rddreg [dreg:$0x14]  }
0x148: {  	[hbm4b:s24+s10] =	stream.strided.scatter [tilespmem:s8], [sflag:$0x8], $0x1800, s19, s10, $0x38;
	[tilespmem:$0x1DD00] =	vst v63  }
0x149: {  	s20 =	sadd.s32 $0x600, s24  }
0x14a: {  	[hbm4b:s20+s4] =	stream.linear.scatter [tilespmem:s18], [sflag:$0x8], $0x100, $0x38;
	[tilespmem:$0x1DD00] =	vst v63  }
0x14b: {  	_ =	swait.ge [sflag:s26], $0x1900  }
0x14c: {  	[sflag:s26] =	ssyncset.done $0x0  }
0x14d: {  	[sflag:s26] =	ssyncadd.s32 $0xFFFFE700  }
0x14e: {  	_ =	swait.ge [sflag:s26], $0x1900  }
0x14f: {  	s25 =	rddreg [dreg:$0x1b]  }
0x150: {  	s28 =	rddreg [dreg:$0x15];
	s23 =	sadd.s32 $0x1, s25  }
0x151: {  	p1 =	sne.s32 s23, s28  }
.Ltmp1:
0x152: {  	_ = 	snop;
	(pc) =	sbr.rel @p1 .LBB2_1-.Ltmp1, $3  }
0x153: {  	_ =	sdelay $0x1  }
0x154: {  	[sflag:s26] =	ssyncset.done $0x0  }
0x155: {  	[sflag:s26] =	ssyncadd.s32 $0xFFFFE700  }
0x156: {  	_ =	sfence.sel $0x180000  }
0x157: {  	[bflag:$0x0] =	sbarrier.arrive $0xFFFF  }
0x158: {  	_ =	strace $0x90000047  }
0x159: {  	s0 =	stileid.u32;
	[bflag:$0x2] =	sbarrier.arrive $0xFFFF  }
0x15a: {  	p0 =	sne.s32 s0, $0x0;
	s0 =	rddreg [dreg:$0x6]  }
0x15b: {  	s0 =	sadd.s32 @!p0 $0x100000, s0  }
0x15c: {  	[sflag:s0] =	ssyncadd.tile.s32 @!p0 $0x1;
	_ =	shalt  }
.Lfunc_end2:
_tile_overlayer_lowered:
.L_overlay_start_2:
0x15d: {  	(tag) =	ssettag $0x2  }
0x15e: {  	s0 =	rddreg [dreg:$0x0];
	s2 =	stileid.u32  }
0x15f: {  	s1 =	rddreg [dreg:$0x1];
	p0 =	sne.s32 s2, $0x0  }
0x160: {  	s3 =	rddreg [dreg:$0x2];
	[bflag:$0x3] =	sbarrier.arrive $0xFFFF;
	s2 =	simm.s32 @!p0 $0x1C09  }
0x161: {  	[timem:s3], [sflag:s2] =	dma.local @!p0 [hbm:s0], s1  }
0x162: {  	s0 =	simm.s32 @!p0 $0x9  }
0x163: {  	_ =	swait.ge @!p0 [sflag:s0], s1  }
0x164: {  	s1 =	ssub.s32 @!p0 $0x0, s1;
	[sflag:s0] =	ssyncset.done @!p0 $0x0  }
0x165: {  	[sflag:s0] =	ssyncadd.s32 @!p0 s1  }
0x166: {  	[bflag:$0x3] =	sbarrier.arrive $0xFFFF  }
0x167: {  	_ =	shalt  }

// kernel: sparse-core-data-format-call.cloned.1.call-start
scs
called_computation_lowered:
.L_overlay_start_0:
0x0: {  	s2 =	sld [smem:$0x3FD9]  }
0x1: {  	s3 =	sld [smem:$0x3FFE];
	_ =	sdelay $0x1  }
0x2: {  	s1 =	srdreg.scid  }
0x3: {  	s0 =	sand.u32 $0x1, s1  }
0x4: {  	s18 =	sshll.u32 s0, $0xA;
	s2 =	sadd.s32 s3, s2  }
0x5: {  	s2 =	sadd.s32 s2, s18  }
0x6: {  	[smem:$0x3FC4] =	sst s2  }
0x7: {  	_ = 	snop  }
0x8: {  	s2 =	sld [smem:$0x3FD0];
	(tm) =	ssettm $0x1  }
0x9: {  	s19 =	sld [smem:$0x3FFB];
	_ =	sdelay $0x3  }
0xa: {  	_ =	strace s19  }
0xb: {  	s3 =	sld [smem:$0x3FFC];
	_ =	sdelay $0x3  }
0xc: {  	_ =	strace s3  }
0xd: {  	s3 =	sld [smem:$0x3FFD];
	_ =	sdelay $0x3  }
0xe: {  	_ =	strace s3  }
0xf: {  	_ =	strace $0x8FFFFFFF  }
0x10: {  	s20 =	sld [smem:$0x3FDB];
	_ =	sdelay $0x1  }
0x11: {  	s4 =	simm.s32 $_scs_section_size  }
0x12: {  	s5 =	simm.s32 $_size__tile_overlayer_lowered;
	s6 =	simm.s32 $_tile_overlayer_lowered  }
0x13: {  	s23 =	simm.s32 $0x1BFF;
	s22 =	sshll.u32 s6, $0x1;
	s3 =	sadd.s32 s4, s20  }
0x14: {  	s7 =	simm.s32 $0x0;
	s21 =	sshll.u32 s5, $0x1;
	s5 =	sadd.s32 s22, s3  }
0x15: {  	[timem:s7], [sflag:s23] =	dma.local [hbm:s5], s21  }
0x16: {  	_ =	swait.ge [sflag:s23], s21  }
0x17: {  	s4 =	ssub.s32 $0x0, s21;
	[sflag:s23] =	ssyncset.done $0x0  }
0x18: {  	[sflag:s23] =	ssyncadd.s32 s4;
	_ =	sdelay $0x1  }
0x19: {  	s24 =	simm.s32 $0x1B8B  }
0x1a: {  	_ =	swait.ge [sflag:s24], $0x1  }
0x1b: {  	[sflag:s24] =	ssyncset.done $0x0  }
0x1c: {  	s26 =	simm.s32 $0x1B8E;
	s25 =	sld [smem:$0x3FFE];
	[sflag:s24] =	ssyncadd.s32 $0xFFFFFFFF  }
0x1d: {  	s27 =	simm.s32 $execute0_lowered;
	[smem:$0x3FD2] =	sst s26  }
0x1e: {  	s5 =	sshll.u32 s27, $0x1;
	_ =	strace $0x80000049;
	[dreg:$0x1] =	wrdreg $0xFFFFFFFF  }
0x1f: {  	s28 =	simm.s32 $_size_execute0_lowered;
	s3 =	sadd.s32 s3, s5;
	[dreg:$0x0] =	wrdreg $0x0  }
0x20: {  	s5 =	sshll.u32 s28, $0x1;
	[dreg:$0x2] =	wrdreg s3  }
0x21: {  	[dreg:$0x3] =	wrdreg s5  }
0x22: {  	[dreg:$0x4] =	wrdreg $0xC0  }
0x23: {  	_ =	task [dreg:s7], $0x5FFFF  }
0x24: {  	[dreg:$0x1] =	wrdreg $0xFFFFFFFF  }
0x25: {  	[dreg:$0x0] =	wrdreg $0x60  }
0x26: {  	[dreg:$0x2] =	wrdreg s25  }
0x27: {  	[dreg:$0x3] =	wrdreg s2  }
0x28: {  	[dreg:$0x4] =	wrdreg $0x9  }
0x29: {  	_ =	task.clear_ibuf [dreg:s7], $0x5FFFF;
	_ =	strace $0x90000049  }
0x2a: {  	s29 =	simm.s32 $0x9;
	_ =	strace $0x8000004B  }
0x2b: {  	_ =	swait.ge [sflag:s29], $0x1  }
0x2c: {  	[sflag:s29] =	ssyncadd.s32 $0xFFFFFFFF  }
0x2d: {  	_ =	strace $0x9000004B  }
0x2e: {  	_ =	sfence  }
0x2f: {  	s30 =	sld [smem:$0x0];
	_ =	sdelay $0x2  }
0x30: {  	s31 =	sshll.u32 s1, $0xD;
	s1 =	sshrl.u32 s1, $0x2  }
0x31: {  	s3 =	sand.u32 $0x4000, s31;
	s1 =	sadd.s32 s1, s30  }
0x32: {  	s0 =	sor.u32 s3, s0;
	s1 =	sshll.u32 s1, $0x11  }
0x33: {  	s0 =	sor.u32 s1, s0  }
0x34: {  	s0 =	sadd.s32 $0x8F2B, s0  }
0x35: {  	[sflag:s0] =	ssyncadd.remote.s32 $0x1  }
0x36: {  	_ =	sfence.sel $0xFFFF  }
0x37: {  	[dreg:$0x0] =	wrdreg $0xFFFFFFFF;
	(pc) =	sbr.abs _section_cstart, $3  }
0x38: {  	[dreg:$0x1] =	wrdreg $0xFFFFFFFF  }
0x39: {  	_ =	task.clear_ibuf [dreg:s7], $0x2FFFF;
	_ =	strace $0x9FFFFFFF  }
0x3a: {  	(tm) =	ssettm $0x7FFFFFFF  }
0x3b: {  	_ =	shalt  }
tec
execute0_lowered:
.L_overlay_start_1:
0x0: {  	(tag) =	ssettag $0x1  }
0x1: {  	s0 =	srdreg.scid  }
0x2: {  	s1 =	sshll.u32 s0, $0x4  }
0x3: {  	s6 =	rddreg [dreg:$0x0];
	s0 =	stileid.u32;
	s1 =	sand.u32 $0x10, s1  }
0x4: {  	s3 =	rddreg [dreg:$0x1];
	s1 =	sor.u32 s0, s1  }
0x5: {  	s5 =	simm.s32 $0x1;
	s31 =	simm.s32 $0x2;
	s2 =	sshll.u32 s1, $0x7  }
0x6: {  	s14 =	simm.s32 $0x0;
	s8 =	simm.s32 $0x800;
	s4 =	ssub.s32 $0x1000, s2  }
0x7: {  	s9 =	simm.s32 $0x0;
	s15 =	simm.s32 $0x0;
	s30 =	sand.u32 $0xF80, s4  }
0x8: {  	s16 =	simm.s32 $0x0;
	s10 =	simm.s32 $0x0;
	p0 =	sne.s32 s30, $0x0  }
.Ltmp0:
0x9: {  	s7 =	sshrl.u32 s4, $0xC;
	s5 =	simm.s32 @!p0 $0x0;
	(pc) =	sbr.rel .LBB1_1-.Ltmp0, $4  }
0xa: {  	s11 =	simm.s32 $0x0;
	s1 =	rddreg [dreg:$0x2];
	s5 =	sadd.s32 s5, s7  }
0xb: {  	_ =	strace $0x8000004A;
	s4 =	simm.s32 $0x1;
	s5 =	smul.u32 $0x64, s5  }
0xc: {  	s13 =	simm.s32 $0x0;
	s6 =	sadd.s32 $0x10800, s6;
	[sflag:s4] =	ssyncpa.u1 $0x0  }
0xd: {  	s12 =	smov.u32 s2;
	[sflag:s31] =	ssyncpa.u1 $0x0;
	s7 =	sor.u32 $0x1, s5  }
.LBB1_4:
0xe: {  	_ =	sdelay $0x3  }
0xf: {  	[tilespmem:v0+s19+$0xFFFFFFD0 ss:$0x1] =	vst.idx.msk $0xffff, v6  }
0x10: {  	v56 =	vld.idx.msk [tilespmem:v1+s18+$0x0 ss:$0x1], $0xffff;
	[tilespmem:v0+s19+$0xFFFFFFE0 ss:$0x1] =	vst.idx.msk $0xffff, v4  }
0x11: {  	v57 =	vld.idx.msk [tilespmem:v1+s18+$0xFFFFFF90 ss:$0x1], $0xffff;
	[tilespmem:v0+s19+$0xFFFFFFF0 ss:$0x1] =	vst.idx.msk $0xffff, v2  }
0x12: {  	v58 =	vld.idx.msk [tilespmem:v1+s18+$0xFFFFFFA0 ss:$0x1], $0xffff;
	[tilespmem:v0+s19+$0x0 ss:$0x1] =	vst.idx.msk $0xffff, v3  }
0x13: {  	v59 =	vld.idx.msk [tilespmem:v1+s18+$0xFFFFFFB0 ss:$0x1], $0xffff;
	[tilespmem:v0+s19+$0x10 ss:$0x1] =	vst.idx.msk $0xffff, v5  }
0x14: {  	v60 =	vld.idx.msk [tilespmem:v1+s18+$0xFFFFFFC0 ss:$0x1], $0xffff;
	[tilespmem:v0+s19+$0x20 ss:$0x1] =	vst.idx.msk $0xffff, v7  }
0x15: {  	v61 =	vld.idx.msk [tilespmem:v1+s18+$0xFFFFFFD0 ss:$0x1], $0xffff;
	s27 =	sshll.u32 s16, $0x8;
	[tilespmem:v0+s18+$0x30 ss:$0x1] =	vst.idx.msk $0xffff, v56  }
0x16: {  	s20 =	sshll.u32 s14, $0x3;
	v62 =	vld.idx.msk [tilespmem:v1+s18+$0xFFFFFFE0 ss:$0x1], $0xffff;
	s28 =	sshll.u32 s16, $0x7;
	s30 =	sand.u32 $0x78, s14;
	[tilespmem:v0+s18+$0xFFFFFFC0 ss:$0x1] =	vst.idx.msk $0xffff, v57  }
0x17: {  	v63 =	vld.idx.msk [tilespmem:v1+s18+$0xFFFFFFF0 ss:$0x1], $0xffff;
	s15 =	sshll.u32 s15, $0x11;
	s19 =	sand.u32 $0xFF800, s27;
	s20 =	sand.u32 $0xFFC00, s20;
	[tilespmem:v0+s18+$0xFFFFFFD0 ss:$0x1] =	vst.idx.msk $0xffff, v58  }
0x18: {  	s29 =	sand.u32 $0x300, s28;
	s16 =	sand.u32 $0x80, s28;
	s19 =	sadd.s32 s19, s20;
	[tilespmem:v0+s18+$0xFFFFFFE0 ss:$0x1] =	vst.idx.msk $0xffff, v59  }
0x19: {  	s31 =	sand.u32 $0x7, s14;
	s16 =	sor.u32 s16, s30;
	s19 =	sor.u32 s29, s19;
	[tilespmem:v0+s18+$0xFFFFFFF0 ss:$0x1] =	vst.idx.msk $0xffff, v60  }
0x1a: {  	s15 =	sadd.s32 s3, s15;
	s16 =	sshrl.u32 s16, $0x3;
	s19 =	sshrl.u32 s19, $0x3;
	[tilespmem:v0+s18+$0x0 ss:$0x1] =	vst.idx.msk $0xffff, v61  }
0x1b: {  	s14 =	sshll.u32 s31, $0x12;
	s15 =	sadd.s32 s16, s15;
	[tilespmem:v0+s18+$0x10 ss:$0x1] =	vst.idx.msk $0xffff, v62;
	s19 =	sand.u32 $0x1FFE0, s19  }
0x1c: {  	s14 =	sor.u32 $0x400, s14;
	[tilespmem:v0+s18+$0x20 ss:$0x1] =	vst.idx.msk $0xffff, v63;
	s15 =	sadd.s32 s19, s15  }
0x1d: {  	[hbm4b:s15+s14] =	stream.strided.scatter [tilespmem:s17], [sflag:$0x2], $0x4000, s8, s14, $0x38;
	[tilespmem:$0x10000] =	vst v63  }
.LBB1_5:
0x1e: {  	s17 =	sadd.s32 $0x80, s10  }
0x1f: {  	s14 =	simm.s32 $0x1;
	p1 =	sgt.s32 s17, $0xFF  }
0x20: {  	s14 =	simm.s32 @!p1 $0x0  }
0x21: {  	s18 =	sadd.s32 s14, s11  }
0x22: {  	s20 =	smov.u32 s12;
	s14 =	sadd.s32 $0x1000, s12;
	p2 =	sgt.s32 s18, $0x31  }
0x23: {  	s20 =	smov.u32 @p2 s14  }
0x24: {  	p0 =	slt.u32 s13, $0x2;
	s17 =	simm.s32 @p1 $0x0;
	p1 =	sgt.s32 s20, $0xFFF  }
0x25: {  	s19 =	simm.s32 @!p0 $0x2;
	s20 =	smov.u32 @p1 s2;
	p1 =	sne.s32 s13, s7  }
.Ltmp1:
0x26: {  	_ =	swait.ge @!p0 [sflag:s19], $0x4000;
	(pc) =	sbr.rel @!p1 .LBB1_6-.Ltmp1, $4  }
0x27: {  	s15 =	smov.u32 s11;
	[sflag:s19] =	ssyncset.done @!p0 $0x0  }
0x28: {  	s16 =	smov.u32 s12;
	s9 =	sadd.s32 $0x4000, s9;
	[sflag:s19] =	ssyncadd.s32 @!p0 $0xFFFFC000  }
0x29: {  	s18 =	simm.s32 @p2 $0x0;
	s14 =	smov.u32 s10;
	s10 =	smov.u32 s17  }
0x2a: {  	s11 =	smov.u32 s18;
	s13 =	sadd.s32 $0x1, s13;
	s12 =	smov.u32 s20  }
.LBB1_1:
0x2b: {  	p0 =	sge.u32 s13, s5  }
0x2c: {  	s17 =	sshll.u32 @!p0 s11, $0x8;
	s18 =	sshll.u32 @!p0 s10, $0x3  }
0x2d: {  	s19 =	sshll.u32 @!p0 s11, $0x7;
	s17 =	sand.u32 @!p0 $0xFFFFF800, s17;
	s18 =	sand.u32 @!p0 $0xFFFFFC00, s18  }
0x2e: {  	s17 =	sadd.s32 @!p0 s17, s18;
	s18 =	sand.u32 @!p0 $0x300, s19  }
0x2f: {  	s17 =	sor.u32 @!p0 s18, s17  }
0x30: {  	s17 =	sshrl.u32 @!p0 s17, $0x8  }
0x31: {  	s31 =	sadd.s32 $0xFFFFFFFF, s13;
	s18 =	smulhi.u32 @!p0 $0x4924925, s17  }
0x32: {  	s20 =	sxor.u32 @!p0 $0xFFFFFFFF, s13;
	s21 =	sand.u32 @!p0 $0x78, s10;
	s22 =	smul.u32 @!p0 $0x700, s12  }
0x33: {  	s20 =	sshll.u32 @!p0 s20, $0xE;
	s19 =	sand.u32 @!p0 $0x80, s19;
	s18 =	smul.u32 @!p0 $0x38, s18  }
0x34: {  	s20 =	sand.u32 @!p0 $0x4000, s20;
	s19 =	sor.u32 @!p0 s21, s19;
	s21 =	sand.u32 @!p0 $0x7, s10  }
0x35: {  	s17 =	ssub.s32 @!p0 s17, s18;
	s18 =	sshrl.u32 @!p0 s19, $0x3;
	s19 =	sadd.s32 @!p0 s6, s22  }
0x36: {  	s17 =	sshll.u32 @!p0 s17, $0x5;
	s18 =	sadd.s32 @!p0 s18, s19;
	s19 =	sshll.u32 @!p0 s21, $0x12  }
0x37: {  	s17 =	sadd.s32 @!p0 s17, s18;
	s18 =	sor.u32 @!p0 $0x80, s19;
	s19 =	simm.s32 @!p0 $0x3800  }
0x38: {  	[tilespmem:s20], [sflag:$0x1] =	stream.strided.gather @!p0 [hbm4b:s17+s18], $0x4000, s19, s18, $0x38;
	[tilespmem:$0x10000] =	vst v63  }
0x39: {  	p0 =	sge.u32 s31, s5  }
.Ltmp2:
0x3a: {  	_ = 	snop;
	(pc) =	sbr.rel @p0 .LBB1_5-.Ltmp2, $1  }
0x3b: {  	_ =	sdelay $0x3  }
0x3c: {  	s17 =	sand.u32 $0x4000, s9  }
0x3d: {  	s18 =	sor.u32 $0x70, s17  }
0x3e: {  	v1 =	vmov s18;
	_ =	sdelay $0x1  }
0x3f: {  	_ =	swait.ge [sflag:s4], $0x4000  }
0x40: {  	[sflag:s4] =	ssyncset.done $0x0  }
0x41: {  	s19 =	simm.s32 $0x0;
	[sflag:s4] =	ssyncadd.s32 $0xFFFFC000  }
0x42: {  	s17 =	sor.u32 $0x8040, s17;
	v7 =	vld.idx.msk [tilespmem:v1+s19+$0x0 ss:$0x1], $0xffff  }
0x43: {  	v0 =	vmov s17;
	v8 =	vld.idx.msk [tilespmem:v1+s19+$0xFFFFFF90 ss:$0x1], $0xffff  }
0x44: {  	v6 =	vld.idx.msk [tilespmem:v1+s19+$0xFFFFFFA0 ss:$0x1], $0xffff  }
0x45: {  	v4 =	vld.idx.msk [tilespmem:v1+s19+$0xFFFFFFB0 ss:$0x1], $0xffff  }
0x46: {  	v2 =	vld.idx.msk [tilespmem:v1+s19+$0xFFFFFFC0 ss:$0x1], $0xffff  }
0x47: {  	s31 =	sshll.u32 s13, $0xE;
	v3 =	vld.idx.msk [tilespmem:v1+s19+$0xFFFFFFD0 ss:$0x1], $0xffff  }
0x48: {  	s17 =	sand.u32 $0x4000, s31;
	v5 =	vld.idx.msk [tilespmem:v1+s19+$0xFFFFFFE0 ss:$0x1], $0xffff;
	[tilespmem:v0+s19+$0x30 ss:$0x1] =	vst.idx.msk $0xffff, v7  }
0x49: {  	s20 =	simm.s32 $0x400;
	s18 =	simm.s32 $0x80;
	s17 =	sor.u32 $0x8000, s17;
	[tilespmem:v0+s19+$0xFFFFFFC0 ss:$0x1] =	vst.idx.msk $0xffff, v8;
	v7 =	vld.idx.msk [tilespmem:v1+s19+$0xFFFFFFF0 ss:$0x1], $0xffff  }
.LBB1_3:
0x4a: {  	p0 =	sne.s32 s20, $0xFE00;
	v8 =	vld.idx.msk [tilespmem:v1+s18+$0x0 ss:$0x1], $0xffff;
	[tilespmem:v0+s19+$0xFFFFFFD0 ss:$0x1] =	vst.idx.msk $0xffff, v6  }
0x4b: {  	v9 =	vld.idx.msk [tilespmem:v1+s18+$0xFFFFFF90 ss:$0x1], $0xffff;
	[tilespmem:v0+s19+$0xFFFFFFE0 ss:$0x1] =	vst.idx.msk $0xffff, v4  }
0x4c: {  	v6 =	vld.idx.msk [tilespmem:v1+s18+$0xFFFFFFA0 ss:$0x1], $0xffff;
	[tilespmem:v0+s19+$0xFFFFFFF0 ss:$0x1] =	vst.idx.msk $0xffff, v2  }
.Ltmp3:
0x4d: {  	v4 =	vld.idx.msk [tilespmem:v1+s18+$0xFFFFFFB0 ss:$0x1], $0xffff;
	[tilespmem:v0+s19+$0x0 ss:$0x1] =	vst.idx.msk $0xffff, v3;
	(pc) =	sbr.rel @p0 .LBB1_3-.Ltmp3, $4  }
0x4e: {  	v2 =	vld.idx.msk [tilespmem:v1+s18+$0xFFFFFFC0 ss:$0x1], $0xffff;
	[tilespmem:v0+s19+$0x10 ss:$0x1] =	vst.idx.msk $0xffff, v5  }
0x4f: {  	v3 =	vld.idx.msk [tilespmem:v1+s18+$0xFFFFFFD0 ss:$0x1], $0xffff;
	[tilespmem:v0+s19+$0x20 ss:$0x1] =	vst.idx.msk $0xffff, v7;
	s19 =	smov.u32 s18  }
0x50: {  	v5 =	vld.idx.msk [tilespmem:v1+s19+$0xFFFFFFE0 ss:$0x1], $0xffff;
	[tilespmem:v0+s19+$0x30 ss:$0x1] =	vst.idx.msk $0xffff, v8  }
0x51: {  	s18 =	sshra.s32 s20, $0x2;
	s20 =	sadd.s32 $0x200, s20;
	[tilespmem:v0+s19+$0xFFFFFFC0 ss:$0x1] =	vst.idx.msk $0xffff, v9;
	v7 =	vld.idx.msk [tilespmem:v1+s19+$0xFFFFFFF0 ss:$0x1], $0xffff  }
.Ltmp4:
0x52: {  	_ = 	snop;
	(pc) =	sbr.rel .LBB1_4-.Ltmp4, $1  }
0x53: {  	_ =	sdelay $0x3  }
.LBB1_6:
0x54: {  	_ =	sfence.sel $0x180000  }
0x55: {  	s2 =	simm.s32 $0x1;
	[bflag:$0x0] =	sbarrier.arrive $0xFFFF  }
0x56: {  	s31 =	simm.s32 $0x2;
	[sflag:s2] =	ssyncpa.u1 $0x1  }
0x57: {  	[sflag:s31] =	ssyncpa.u1 $0x1  }
0x58: {  	p0 =	sne.s32 s0, $0x0;
	_ =	strace $0x9000004A  }
0x59: {  	s0 =	sadd.s32 @!p0 $0x100000, s1;
	[bflag:$0x2] =	sbarrier.arrive $0xFFFF  }
0x5a: {  	[sflag:s0] =	ssyncadd.tile.s32 @!p0 $0x1;
	_ =	shalt  }
.Lfunc_end1:
_tile_overlayer_lowered:
.L_overlay_start_2:
0x5b: {  	(tag) =	ssettag $0x2  }
0x5c: {  	s0 =	rddreg [dreg:$0x0];
	s2 =	stileid.u32  }
0x5d: {  	s1 =	rddreg [dreg:$0x1];
	p0 =	sne.s32 s2, $0x0  }
0x5e: {  	s3 =	rddreg [dreg:$0x2];
	[bflag:$0x3] =	sbarrier.arrive $0xFFFF;
	s2 =	simm.s32 @!p0 $0x1C01  }
0x5f: {  	[timem:s3], [sflag:s2] =	dma.local @!p0 [hbm:s0], s1  }
0x60: {  	s0 =	simm.s32 @!p0 $0x1  }
0x61: {  	_ =	swait.ge @!p0 [sflag:s0], s1  }
0x62: {  	s1 =	ssub.s32 @!p0 $0x0, s1;
	[sflag:s0] =	ssyncset.done @!p0 $0x0  }
0x63: {  	[sflag:s0] =	ssyncadd.s32 @!p0 s1  }
0x64: {  	[bflag:$0x3] =	sbarrier.arrive $0xFFFF  }
0x65: {  	_ =	shalt  }

</sc_bundles>
